<compile_context>
chip_gen: v7x
topology: tpu7x:2x2x1
jax: 0.10.2.dev20260603
libtpu: 0.0.44.dev20260713+nightly
codegen_flags: <defaults>
</compile_context>

<pallas_src>
import functools

import jax
import jax.numpy as jnp
from jax import lax
from jax.experimental import pallas as pl
from jax.experimental.pallas import tpu as pltpu
from jax.experimental.pallas import tpu_sc as plsc

_NUM_CORES = 2
_NUM_SUBCORES = 16
_NUM_WORKERS = _NUM_CORES * _NUM_SUBCORES
_CHUNK = 200


@functools.lru_cache(maxsize=None)
def _build(B, V, D, chunk):
    assert B % (_NUM_WORKERS * chunk) == 0
    b_per_w = B // _NUM_WORKERS
    nsteps = b_per_w // chunk
    assert nsteps % 4 == 0 and nsteps >= 12
    ngroups = nsteps // 4
    mesh = plsc.VectorSubcoreMesh(
        core_axis_name="c", subcore_axis_name="s",
        num_cores=_NUM_CORES, num_subcores=_NUM_SUBCORES)

    @functools.partial(
        pl.kernel,
        out_type=jax.ShapeDtypeStruct((B, D), jnp.float32),
        mesh=mesh,
        scratch_types=(
            [pltpu.VMEM_SHARED((V, D), jnp.float32)]
            + [pltpu.VMEM((chunk,), jnp.int32) for _ in range(4)]
            + [pltpu.VMEM((chunk, D), jnp.float32) for _ in range(2)]
            + [pltpu.SemaphoreType.DMA for _ in range(8)]
        ),
    )
    def launch(idx_hbm, table_hbm, out_hbm, tab_sh,
               iv0, iv1, iv2, iv3, rv0, rv1,
               is0, is1, is2, is3, gs0, gs1, ws0, ws1):
        idx_v = [iv0, iv1, iv2, iv3]
        rows_v = [rv0, rv1]
        isem = [is0, is1, is2, is3]
        gsem = [gs0, gs1]
        wsem = [ws0, ws1]
        cid = lax.axis_index("c")
        sid = lax.axis_index("s")
        wid = sid * _NUM_CORES + cid
        base = wid * b_per_w

        @pl.when(sid == 0)
        def _stage():
            pltpu.sync_copy(table_hbm, tab_sh)
        plsc.subcore_barrier()

        def start_i(g, s):
            pltpu.async_copy(idx_hbm.at[pl.ds(base + g * chunk, chunk)],
                             idx_v[s], isem[s])

        def wait_i(g, s):
            pltpu.make_async_copy(idx_hbm.at[pl.ds(base + g * chunk, chunk)],
                                  idx_v[s], isem[s]).wait()

        def start_g(s, b):
            pltpu.async_copy(tab_sh.at[idx_v[s]], rows_v[b], gsem[b])

        def wait_g(s, b):
            pltpu.make_async_copy(tab_sh.at[idx_v[s]], rows_v[b],
                                  gsem[b]).wait()

        def start_w(g, b):
            pltpu.async_copy(rows_v[b],
                             out_hbm.at[pl.ds(base + g * chunk, chunk)],
                             wsem[b])

        def wait_w(g, b):
            pltpu.make_async_copy(rows_v[b],
                                  out_hbm.at[pl.ds(base + g * chunk, chunk)],
                                  wsem[b]).wait()

        def body(g, jpar, do_wait_w=True, do_start_g=True, do_start_i=True):
            b = jpar % 2
            bn = (jpar + 1) % 2
            i1 = (jpar + 1) % 4
            i2 = (jpar + 2) % 4
            if do_wait_w:
                wait_w(g - 1, bn)
            if do_start_g:
                wait_i(g + 1, i1)
                start_g(i1, bn)
            if do_start_i:
                start_i(g + 2, i2)
            wait_g(jpar % 4, b)
            start_w(g, b)

        start_i(0, 0)
        start_i(1, 1)
        wait_i(0, 0)
        start_g(0, 0)
        body(0, 0, do_wait_w=False)
        body(1, 1)
        body(2, 2)
        body(3, 3)

        @pl.loop(1, ngroups - 1)
        def _group(gg):
            g0 = gg * 4
            for j in range(4):
                body(g0 + j, j)

        gN = nsteps - 4
        body(gN + 0, 0)
        body(gN + 1, 1)
        body(gN + 2, 2, do_start_i=False)
        body(gN + 3, 3, do_start_g=False, do_start_i=False)
        wait_w(nsteps - 1, (nsteps - 1) % 2)

    return launch


def kernel(idx, table):
    B = idx.shape[0] * idx.shape[1]
    idx_flat = idx.reshape(B).astype(jnp.int32)
    table = table.astype(jnp.float32)
    out = _build(B, table.shape[0], table.shape[1], _CHUNK)(idx_flat, table)
    return out.reshape(idx.shape + (table.shape[1],))

# --- scband reference (transcript-rebuilt; emitter-appended) ---
"""Pipeline reference for scband-group-embedding-86629490360724 (READ-ONLY COPY).

The authoritative reference and input builder live on the scoring server;
editing this copy changes nothing except your own understanding.
"""

import jax, jax.numpy as jnp
import numpy as np

EMBED_DIM = 128
NUM_GROUPS = 17

def setup_inputs(seed: int = 0) -> dict:
    key = jax.random.key(seed)
    k_idx, k_tab = jax.random.split(key)
    idx = jax.random.randint(k_idx, (16384, 200), 0, NUM_GROUPS, dtype=jnp.int64 if jax.config.jax_enable_x64 else jnp.int32)
    # Learned embedding table. The torch module initializes the first 6 dims with
    # geometric priors and the rest with randn*0.1; the values don't affect the
    # computation structure, so we materialize an equivalent table here.
    group_properties = [(1,0,0.0,0.0),(2,0,0.0,0.0),(1,0,1.0,0.0),(1,0,0.0,1.0),(1,1,1.0,0.0),(2,0,1.0,0.0),(2,0,1.0,1.0),(2,0,0.0,1.0),(2,1,1.0,0.0),(4,2,0.0,0.0),(4,2,1.0,0.0),(4,2,1.0,1.0),(3,3,0.0,0.0),(3,3,1.0,0.0),(3,3,1.0,0.0),(6,3,0.0,0.0),(6,3,1.0,0.0)]
    tab = np.zeros((NUM_GROUPS, EMBED_DIM), dtype=np.float32)
    rng = np.random.default_rng(0)
    for i, (rotation, lattice, reflection, glide) in enumerate(group_properties):
        tab[i, 0] = rotation / 6.0
        tab[i, 1] = np.sin(2 * np.pi * rotation / 6.0)
        tab[i, 2] = np.cos(2 * np.pi * rotation / 6.0)
        tab[i, 3] = lattice / 3.0
        tab[i, 4] = reflection
        tab[i, 5] = glide
        tab[i, 6:] = rng.standard_normal(EMBED_DIM - 6).astype(np.float32) * 0.1
    table = jnp.asarray(tab)
    return {"idx": idx, "table": table}

def reference(idx, table):
    # nn.Embedding forward: gather rows of the table by index.
    return jnp.take(table, idx, axis=0)

if __name__ == "__main__":
    import jax
    _d = setup_inputs()
    print(jax.jit(kernel)(*tuple(_d.values())))

</pallas_src>

<mosaic_0001>
#map = affine_map<(d0, d1) -> (0)>
#map1 = affine_map<(d0, d1) -> (0, 0)>
module attributes {stable_mosaic.version = 14 : i64} {
  func.func @launch(%arg0: i32, %arg1: i32, %arg2: memref<3276800xi32, #tpu.memory_space<hbm>>, %arg3: memref<17x128xf32, #tpu.memory_space<hbm>>, %arg4: memref<3276800x128xf32, #tpu.memory_space<hbm>>, %arg5: memref<17x128xf32, #tpu.memory_space<vmem_shared>>, %arg6: memref<200xi32, #tpu.memory_space<vmem>>, %arg7: memref<200xi32, #tpu.memory_space<vmem>>, %arg8: memref<200xi32, #tpu.memory_space<vmem>>, %arg9: memref<200xi32, #tpu.memory_space<vmem>>, %arg10: memref<200x128xf32, #tpu.memory_space<vmem>>, %arg11: memref<200x128xf32, #tpu.memory_space<vmem>>, %arg12: memref<!tpu.dma_semaphore, #tpu.memory_space<semaphore_mem>>, %arg13: memref<!tpu.dma_semaphore, #tpu.memory_space<semaphore_mem>>, %arg14: memref<!tpu.dma_semaphore, #tpu.memory_space<semaphore_mem>>, %arg15: memref<!tpu.dma_semaphore, #tpu.memory_space<semaphore_mem>>, %arg16: memref<!tpu.dma_semaphore, #tpu.memory_space<semaphore_mem>>, %arg17: memref<!tpu.dma_semaphore, #tpu.memory_space<semaphore_mem>>, %arg18: memref<!tpu.dma_semaphore, #tpu.memory_space<semaphore_mem>>, %arg19: memref<!tpu.dma_semaphore, #tpu.memory_space<semaphore_mem>>) attributes {dimension_semantics = [#tpu.dimension_semantics<core_parallel>, #tpu.dimension_semantics<subcore_parallel>], iteration_bounds = array<i64: 2, 16>, scalar_prefetch = 0 : i64, scratch_operands = 15 : i64, tpu.core_type = #tpu.core_type<sc_vector_subcore>, window_params = [{transform_indices = #map}, {transform_indices = #map1}, {transform_indices = #map1}]} {
    %mul3A = arith.constant 2 : i32
    %mul3A_0 = arith.muli %arg1, %mul3A : i32
    %add3A = arith.addi %mul3A_0, %arg0 : i32
    %mul3A_1 = arith.constant 102400 : i32
    %mul3A_2 = arith.muli %add3A, %mul3A_1 : i32
    %eq3A = arith.constant 0 : i32
    %eq3A_3 = arith.cmpi eq, %arg1, %eq3A : i32
    %convert_element_type3A = arith.extui %eq3A_3 : i1 to i32
    %cond3A = arith.constant 0 : i32
    %cond3A_4 = arith.cmpi ne, %convert_element_type3A, %cond3A : i32
    scf.if %cond3A_4 {
      "tpu.region"() ({
        %run_scoped3A = tpu.sem_alloc : memref<!tpu.dma_semaphore, #tpu.memory_space<semaphore_mem>>
        tpu.enqueue_dma source(%arg3 : memref<17x128xf32, #tpu.memory_space<hbm>>) target(%arg5 : memref<17x128xf32, #tpu.memory_space<vmem_shared>>) target_semaphore(%run_scoped3A : memref<!tpu.dma_semaphore, #tpu.memory_space<semaphore_mem>>)
        tpu.wait_dma2 semaphore(%run_scoped3A : memref<!tpu.dma_semaphore, #tpu.memory_space<semaphore_mem>>) src(%arg3 : memref<17x128xf32, #tpu.memory_space<hbm>>) dst(%arg5 : memref<17x128xf32, #tpu.memory_space<vmem_shared>>)
        tpu.yield
      }) : () -> ()
    } else {
    }
    %barrier3A = arith.constant 0 : index
    tpu.barrier barrier_id(%barrier3A)
    %add3A_5 = arith.constant 0 : i32
    %add3A_6 = arith.addi %mul3A_2, %add3A_5 : i32
    %dma_start3A = tpu.memref_slice %arg2[%add3A_6] : memref<3276800xi32, #tpu.memory_space<hbm>> -> memref<200xi32, #tpu.memory_space<hbm>>
    %dma_start3A_7 = tpu.memref_slice %arg2[%add3A_6] : memref<3276800xi32, #tpu.memory_space<hbm>> -> memref<200xi32, #tpu.memory_space<hbm>>
    tpu.enqueue_dma source(%dma_start3A_7 : memref<200xi32, #tpu.memory_space<hbm>>) target(%arg6 : memref<200xi32, #tpu.memory_space<vmem>>) target_semaphore(%arg12 : memref<!tpu.dma_semaphore, #tpu.memory_space<semaphore_mem>>)
    %add3A_8 = arith.constant 200 : i32
    %add3A_9 = arith.addi %mul3A_2, %add3A_8 : i32
    %dma_start3A_10 = tpu.memref_slice %arg2[%add3A_9] : memref<3276800xi32, #tpu.memory_space<hbm>> -> memref<200xi32, #tpu.memory_space<hbm>>
    %dma_start3A_11 = tpu.memref_slice %arg2[%add3A_9] : memref<3276800xi32, #tpu.memory_space<hbm>> -> memref<200xi32, #tpu.memory_space<hbm>>
    tpu.enqueue_dma source(%dma_start3A_11 : memref<200xi32, #tpu.memory_space<hbm>>) target(%arg7 : memref<200xi32, #tpu.memory_space<vmem>>) target_semaphore(%arg13 : memref<!tpu.dma_semaphore, #tpu.memory_space<semaphore_mem>>)
    %add3A_12 = arith.constant 0 : i32
    %add3A_13 = arith.addi %mul3A_2, %add3A_12 : i32
    %dma_wait3A = tpu.memref_slice %arg2[%add3A_13] : memref<3276800xi32, #tpu.memory_space<hbm>> -> memref<200xi32, #tpu.memory_space<hbm>>
    %dma_wait3A_14 = tpu.memref_slice %arg2[%add3A_13] : memref<3276800xi32, #tpu.memory_space<hbm>> -> memref<200xi32, #tpu.memory_space<hbm>>
    tpu.wait_dma2 semaphore(%arg12 : memref<!tpu.dma_semaphore, #tpu.memory_space<semaphore_mem>>) src(%dma_wait3A_14 : memref<200xi32, #tpu.memory_space<hbm>>) dst(%arg6 : memref<200xi32, #tpu.memory_space<vmem>>)
    %dma_start3A_15 = arith.constant 0 : i32
    %dma_start3A_16 = arith.constant 0 : i32
    %dma_start3A_17 = tpu.memref_slice %arg5[%dma_start3A_15, %dma_start3A_16] : memref<17x128xf32, #tpu.memory_space<vmem_shared>> -> memref<17x128xf32, #tpu.memory_space<vmem_shared>>
    tpu.enqueue_indirect_dma source(%dma_start3A_17 : memref<17x128xf32, #tpu.memory_space<vmem_shared>>) target(%arg10 : memref<200x128xf32, #tpu.memory_space<vmem>>) offsets(%arg6 : memref<200xi32, #tpu.memory_space<vmem>>) semaphore(%arg16 : memref<!tpu.dma_semaphore, #tpu.memory_space<semaphore_mem>>)
    %add3A_18 = arith.constant 200 : i32
    %add3A_19 = arith.addi %mul3A_2, %add3A_18 : i32
    %dma_wait3A_20 = tpu.memref_slice %arg2[%add3A_19] : memref<3276800xi32, #tpu.memory_space<hbm>> -> memref<200xi32, #tpu.memory_space<hbm>>
    %dma_wait3A_21 = tpu.memref_slice %arg2[%add3A_19] : memref<3276800xi32, #tpu.memory_space<hbm>> -> memref<200xi32, #tpu.memory_space<hbm>>
    tpu.wait_dma2 semaphore(%arg13 : memref<!tpu.dma_semaphore, #tpu.memory_space<semaphore_mem>>) src(%dma_wait3A_21 : memref<200xi32, #tpu.memory_space<hbm>>) dst(%arg7 : memref<200xi32, #tpu.memory_space<vmem>>)
    %dma_start3A_22 = arith.constant 0 : i32
    %dma_start3A_23 = arith.constant 0 : i32
    %dma_start3A_24 = tpu.memref_slice %arg5[%dma_start3A_22, %dma_start3A_23] : memref<17x128xf32, #tpu.memory_space<vmem_shared>> -> memref<17x128xf32, #tpu.memory_space<vmem_shared>>
    tpu.enqueue_indirect_dma source(%dma_start3A_24 : memref<17x128xf32, #tpu.memory_space<vmem_shared>>) target(%arg11 : memref<200x128xf32, #tpu.memory_space<vmem>>) offsets(%arg7 : memref<200xi32, #tpu.memory_space<vmem>>) semaphore(%arg17 : memref<!tpu.dma_semaphore, #tpu.memory_space<semaphore_mem>>)
    %add3A_25 = arith.constant 400 : i32
    %add3A_26 = arith.addi %mul3A_2, %add3A_25 : i32
    %dma_start3A_27 = tpu.memref_slice %arg2[%add3A_26] : memref<3276800xi32, #tpu.memory_space<hbm>> -> memref<200xi32, #tpu.memory_space<hbm>>
    %dma_start3A_28 = tpu.memref_slice %arg2[%add3A_26] : memref<3276800xi32, #tpu.memory_space<hbm>> -> memref<200xi32, #tpu.memory_space<hbm>>
    tpu.enqueue_dma source(%dma_start3A_28 : memref<200xi32, #tpu.memory_space<hbm>>) target(%arg8 : memref<200xi32, #tpu.memory_space<vmem>>) target_semaphore(%arg14 : memref<!tpu.dma_semaphore, #tpu.memory_space<semaphore_mem>>)
    %dma_wait3A_29 = arith.constant 0 : i32
    %dma_wait3A_30 = arith.constant 0 : i32
    %dma_wait3A_31 = tpu.memref_slice %arg5[%dma_wait3A_29, %dma_wait3A_30] : memref<17x128xf32, #tpu.memory_space<vmem_shared>> -> memref<17x128xf32, #tpu.memory_space<vmem_shared>>
    tpu.wait_indirect_dma semaphore(%arg16 : memref<!tpu.dma_semaphore, #tpu.memory_space<semaphore_mem>>) src(%dma_wait3A_31 : memref<17x128xf32, #tpu.memory_space<vmem_shared>>) dst(%arg10 : memref<200x128xf32, #tpu.memory_space<vmem>>)
    %add3A_32 = arith.constant 0 : i32
    %add3A_33 = arith.addi %mul3A_2, %add3A_32 : i32
    %dma_start3A_34 = arith.constant 0 : i32
    %dma_start3A_35 = tpu.memref_slice %arg4[%add3A_33, %dma_start3A_34] : memref<3276800x128xf32, #tpu.memory_space<hbm>> -> memref<200x128xf32, #tpu.memory_space<hbm>>
    %dma_start3A_36 = arith.constant 0 : i32
    %dma_start3A_37 = tpu.memref_slice %arg4[%add3A_33, %dma_start3A_36] : memref<3276800x128xf32, #tpu.memory_space<hbm>> -> memref<200x128xf32, #tpu.memory_space<hbm>>
    tpu.enqueue_dma source(%arg10 : memref<200x128xf32, #tpu.memory_space<vmem>>) target(%dma_start3A_37 : memref<200x128xf32, #tpu.memory_space<hbm>>) target_semaphore(%arg18 : memref<!tpu.dma_semaphore, #tpu.memory_space<semaphore_mem>>)
    %add3A_38 = arith.constant 0 : i32
    %add3A_39 = arith.addi %mul3A_2, %add3A_38 : i32
    %dma_wait3A_40 = arith.constant 0 : i32
    %dma_wait3A_41 = tpu.memref_slice %arg4[%add3A_39, %dma_wait3A_40] : memref<3276800x128xf32, #tpu.memory_space<hbm>> -> memref<200x128xf32, #tpu.memory_space<hbm>>
    %dma_wait3A_42 = arith.constant 0 : i32
    %dma_wait3A_43 = tpu.memref_slice %arg4[%add3A_39, %dma_wait3A_42] : memref<3276800x128xf32, #tpu.memory_space<hbm>> -> memref<200x128xf32, #tpu.memory_space<hbm>>
    tpu.wait_dma2 semaphore(%arg18 : memref<!tpu.dma_semaphore, #tpu.memory_space<semaphore_mem>>) src(%arg10 : memref<200x128xf32, #tpu.memory_space<vmem>>) dst(%dma_wait3A_43 : memref<200x128xf32, #tpu.memory_space<hbm>>)
    %add3A_44 = arith.constant 400 : i32
    %add3A_45 = arith.addi %mul3A_2, %add3A_44 : i32
    %dma_wait3A_46 = tpu.memref_slice %arg2[%add3A_45] : memref<3276800xi32, #tpu.memory_space<hbm>> -> memref<200xi32, #tpu.memory_space<hbm>>
    %dma_wait3A_47 = tpu.memref_slice %arg2[%add3A_45] : memref<3276800xi32, #tpu.memory_space<hbm>> -> memref<200xi32, #tpu.memory_space<hbm>>
    tpu.wait_dma2 semaphore(%arg14 : memref<!tpu.dma_semaphore, #tpu.memory_space<semaphore_mem>>) src(%dma_wait3A_47 : memref<200xi32, #tpu.memory_space<hbm>>) dst(%arg8 : memref<200xi32, #tpu.memory_space<vmem>>)
    %dma_start3A_48 = arith.constant 0 : i32
    %dma_start3A_49 = arith.constant 0 : i32
    %dma_start3A_50 = tpu.memref_slice %arg5[%dma_start3A_48, %dma_start3A_49] : memref<17x128xf32, #tpu.memory_space<vmem_shared>> -> memref<17x128xf32, #tpu.memory_space<vmem_shared>>
    tpu.enqueue_indirect_dma source(%dma_start3A_50 : memref<17x128xf32, #tpu.memory_space<vmem_shared>>) target(%arg10 : memref<200x128xf32, #tpu.memory_space<vmem>>) offsets(%arg8 : memref<200xi32, #tpu.memory_space<vmem>>) semaphore(%arg16 : memref<!tpu.dma_semaphore, #tpu.memory_space<semaphore_mem>>)
    %add3A_51 = arith.constant 600 : i32
    %add3A_52 = arith.addi %mul3A_2, %add3A_51 : i32
    %dma_start3A_53 = tpu.memref_slice %arg2[%add3A_52] : memref<3276800xi32, #tpu.memory_space<hbm>> -> memref<200xi32, #tpu.memory_space<hbm>>
    %dma_start3A_54 = tpu.memref_slice %arg2[%add3A_52] : memref<3276800xi32, #tpu.memory_space<hbm>> -> memref<200xi32, #tpu.memory_space<hbm>>
    tpu.enqueue_dma source(%dma_start3A_54 : memref<200xi32, #tpu.memory_space<hbm>>) target(%arg9 : memref<200xi32, #tpu.memory_space<vmem>>) target_semaphore(%arg15 : memref<!tpu.dma_semaphore, #tpu.memory_space<semaphore_mem>>)
    %dma_wait3A_55 = arith.constant 0 : i32
    %dma_wait3A_56 = arith.constant 0 : i32
    %dma_wait3A_57 = tpu.memref_slice %arg5[%dma_wait3A_55, %dma_wait3A_56] : memref<17x128xf32, #tpu.memory_space<vmem_shared>> -> memref<17x128xf32, #tpu.memory_space<vmem_shared>>
    tpu.wait_indirect_dma semaphore(%arg17 : memref<!tpu.dma_semaphore, #tpu.memory_space<semaphore_mem>>) src(%dma_wait3A_57 : memref<17x128xf32, #tpu.memory_space<vmem_shared>>) dst(%arg11 : memref<200x128xf32, #tpu.memory_space<vmem>>)
    %add3A_58 = arith.constant 200 : i32
    %add3A_59 = arith.addi %mul3A_2, %add3A_58 : i32
    %dma_start3A_60 = arith.constant 0 : i32
    %dma_start3A_61 = tpu.memref_slice %arg4[%add3A_59, %dma_start3A_60] : memref<3276800x128xf32, #tpu.memory_space<hbm>> -> memref<200x128xf32, #tpu.memory_space<hbm>>
    %dma_start3A_62 = arith.constant 0 : i32
    %dma_start3A_63 = tpu.memref_slice %arg4[%add3A_59, %dma_start3A_62] : memref<3276800x128xf32, #tpu.memory_space<hbm>> -> memref<200x128xf32, #tpu.memory_space<hbm>>
    tpu.enqueue_dma source(%arg11 : memref<200x128xf32, #tpu.memory_space<vmem>>) target(%dma_start3A_63 : memref<200x128xf32, #tpu.memory_space<hbm>>) target_semaphore(%arg19 : memref<!tpu.dma_semaphore, #tpu.memory_space<semaphore_mem>>)
    %add3A_64 = arith.constant 200 : i32
    %add3A_65 = arith.addi %mul3A_2, %add3A_64 : i32
    %dma_wait3A_66 = arith.constant 0 : i32
    %dma_wait3A_67 = tpu.memref_slice %arg4[%add3A_65, %dma_wait3A_66] : memref<3276800x128xf32, #tpu.memory_space<hbm>> -> memref<200x128xf32, #tpu.memory_space<hbm>>
    %dma_wait3A_68 = arith.constant 0 : i32
    %dma_wait3A_69 = tpu.memref_slice %arg4[%add3A_65, %dma_wait3A_68] : memref<3276800x128xf32, #tpu.memory_space<hbm>> -> memref<200x128xf32, #tpu.memory_space<hbm>>
    tpu.wait_dma2 semaphore(%arg19 : memref<!tpu.dma_semaphore, #tpu.memory_space<semaphore_mem>>) src(%arg11 : memref<200x128xf32, #tpu.memory_space<vmem>>) dst(%dma_wait3A_69 : memref<200x128xf32, #tpu.memory_space<hbm>>)
    %add3A_70 = arith.constant 600 : i32
    %add3A_71 = arith.addi %mul3A_2, %add3A_70 : i32
    %dma_wait3A_72 = tpu.memref_slice %arg2[%add3A_71] : memref<3276800xi32, #tpu.memory_space<hbm>> -> memref<200xi32, #tpu.memory_space<hbm>>
    %dma_wait3A_73 = tpu.memref_slice %arg2[%add3A_71] : memref<3276800xi32, #tpu.memory_space<hbm>> -> memref<200xi32, #tpu.memory_space<hbm>>
    tpu.wait_dma2 semaphore(%arg15 : memref<!tpu.dma_semaphore, #tpu.memory_space<semaphore_mem>>) src(%dma_wait3A_73 : memref<200xi32, #tpu.memory_space<hbm>>) dst(%arg9 : memref<200xi32, #tpu.memory_space<vmem>>)
    %dma_start3A_74 = arith.constant 0 : i32
    %dma_start3A_75 = arith.constant 0 : i32
    %dma_start3A_76 = tpu.memref_slice %arg5[%dma_start3A_74, %dma_start3A_75] : memref<17x128xf32, #tpu.memory_space<vmem_shared>> -> memref<17x128xf32, #tpu.memory_space<vmem_shared>>
    tpu.enqueue_indirect_dma source(%dma_start3A_76 : memref<17x128xf32, #tpu.memory_space<vmem_shared>>) target(%arg11 : memref<200x128xf32, #tpu.memory_space<vmem>>) offsets(%arg9 : memref<200xi32, #tpu.memory_space<vmem>>) semaphore(%arg17 : memref<!tpu.dma_semaphore, #tpu.memory_space<semaphore_mem>>)
    %add3A_77 = arith.constant 800 : i32
    %add3A_78 = arith.addi %mul3A_2, %add3A_77 : i32
    %dma_start3A_79 = tpu.memref_slice %arg2[%add3A_78] : memref<3276800xi32, #tpu.memory_space<hbm>> -> memref<200xi32, #tpu.memory_space<hbm>>
    %dma_start3A_80 = tpu.memref_slice %arg2[%add3A_78] : memref<3276800xi32, #tpu.memory_space<hbm>> -> memref<200xi32, #tpu.memory_space<hbm>>
    tpu.enqueue_dma source(%dma_start3A_80 : memref<200xi32, #tpu.memory_space<hbm>>) target(%arg6 : memref<200xi32, #tpu.memory_space<vmem>>) target_semaphore(%arg12 : memref<!tpu.dma_semaphore, #tpu.memory_space<semaphore_mem>>)
    %dma_wait3A_81 = arith.constant 0 : i32
    %dma_wait3A_82 = arith.constant 0 : i32
    %dma_wait3A_83 = tpu.memref_slice %arg5[%dma_wait3A_81, %dma_wait3A_82] : memref<17x128xf32, #tpu.memory_space<vmem_shared>> -> memref<17x128xf32, #tpu.memory_space<vmem_shared>>
    tpu.wait_indirect_dma semaphore(%arg16 : memref<!tpu.dma_semaphore, #tpu.memory_space<semaphore_mem>>) src(%dma_wait3A_83 : memref<17x128xf32, #tpu.memory_space<vmem_shared>>) dst(%arg10 : memref<200x128xf32, #tpu.memory_space<vmem>>)
    %add3A_84 = arith.constant 400 : i32
    %add3A_85 = arith.addi %mul3A_2, %add3A_84 : i32
    %dma_start3A_86 = arith.constant 0 : i32
    %dma_start3A_87 = tpu.memref_slice %arg4[%add3A_85, %dma_start3A_86] : memref<3276800x128xf32, #tpu.memory_space<hbm>> -> memref<200x128xf32, #tpu.memory_space<hbm>>
    %dma_start3A_88 = arith.constant 0 : i32
    %dma_start3A_89 = tpu.memref_slice %arg4[%add3A_85, %dma_start3A_88] : memref<3276800x128xf32, #tpu.memory_space<hbm>> -> memref<200x128xf32, #tpu.memory_space<hbm>>
    tpu.enqueue_dma source(%arg10 : memref<200x128xf32, #tpu.memory_space<vmem>>) target(%dma_start3A_89 : memref<200x128xf32, #tpu.memory_space<hbm>>) target_semaphore(%arg18 : memref<!tpu.dma_semaphore, #tpu.memory_space<semaphore_mem>>)
    %add3A_90 = arith.constant 400 : i32
    %add3A_91 = arith.addi %mul3A_2, %add3A_90 : i32
    %dma_wait3A_92 = arith.constant 0 : i32
    %dma_wait3A_93 = tpu.memref_slice %arg4[%add3A_91, %dma_wait3A_92] : memref<3276800x128xf32, #tpu.memory_space<hbm>> -> memref<200x128xf32, #tpu.memory_space<hbm>>
    %dma_wait3A_94 = arith.constant 0 : i32
    %dma_wait3A_95 = tpu.memref_slice %arg4[%add3A_91, %dma_wait3A_94] : memref<3276800x128xf32, #tpu.memory_space<hbm>> -> memref<200x128xf32, #tpu.memory_space<hbm>>
    tpu.wait_dma2 semaphore(%arg18 : memref<!tpu.dma_semaphore, #tpu.memory_space<semaphore_mem>>) src(%arg10 : memref<200x128xf32, #tpu.memory_space<vmem>>) dst(%dma_wait3A_95 : memref<200x128xf32, #tpu.memory_space<hbm>>)
    %add3A_96 = arith.constant 800 : i32
    %add3A_97 = arith.addi %mul3A_2, %add3A_96 : i32
    %dma_wait3A_98 = tpu.memref_slice %arg2[%add3A_97] : memref<3276800xi32, #tpu.memory_space<hbm>> -> memref<200xi32, #tpu.memory_space<hbm>>
    %dma_wait3A_99 = tpu.memref_slice %arg2[%add3A_97] : memref<3276800xi32, #tpu.memory_space<hbm>> -> memref<200xi32, #tpu.memory_space<hbm>>
    tpu.wait_dma2 semaphore(%arg12 : memref<!tpu.dma_semaphore, #tpu.memory_space<semaphore_mem>>) src(%dma_wait3A_99 : memref<200xi32, #tpu.memory_space<hbm>>) dst(%arg6 : memref<200xi32, #tpu.memory_space<vmem>>)
    %dma_start3A_100 = arith.constant 0 : i32
    %dma_start3A_101 = arith.constant 0 : i32
    %dma_start3A_102 = tpu.memref_slice %arg5[%dma_start3A_100, %dma_start3A_101] : memref<17x128xf32, #tpu.memory_space<vmem_shared>> -> memref<17x128xf32, #tpu.memory_space<vmem_shared>>
    tpu.enqueue_indirect_dma source(%dma_start3A_102 : memref<17x128xf32, #tpu.memory_space<vmem_shared>>) target(%arg10 : memref<200x128xf32, #tpu.memory_space<vmem>>) offsets(%arg6 : memref<200xi32, #tpu.memory_space<vmem>>) semaphore(%arg16 : memref<!tpu.dma_semaphore, #tpu.memory_space<semaphore_mem>>)
    %add3A_103 = arith.constant 1000 : i32
    %add3A_104 = arith.addi %mul3A_2, %add3A_103 : i32
    %dma_start3A_105 = tpu.memref_slice %arg2[%add3A_104] : memref<3276800xi32, #tpu.memory_space<hbm>> -> memref<200xi32, #tpu.memory_space<hbm>>
    %dma_start3A_106 = tpu.memref_slice %arg2[%add3A_104] : memref<3276800xi32, #tpu.memory_space<hbm>> -> memref<200xi32, #tpu.memory_space<hbm>>
    tpu.enqueue_dma source(%dma_start3A_106 : memref<200xi32, #tpu.memory_space<hbm>>) target(%arg7 : memref<200xi32, #tpu.memory_space<vmem>>) target_semaphore(%arg13 : memref<!tpu.dma_semaphore, #tpu.memory_space<semaphore_mem>>)
    %dma_wait3A_107 = arith.constant 0 : i32
    %dma_wait3A_108 = arith.constant 0 : i32
    %dma_wait3A_109 = tpu.memref_slice %arg5[%dma_wait3A_107, %dma_wait3A_108] : memref<17x128xf32, #tpu.memory_space<vmem_shared>> -> memref<17x128xf32, #tpu.memory_space<vmem_shared>>
    tpu.wait_indirect_dma semaphore(%arg17 : memref<!tpu.dma_semaphore, #tpu.memory_space<semaphore_mem>>) src(%dma_wait3A_109 : memref<17x128xf32, #tpu.memory_space<vmem_shared>>) dst(%arg11 : memref<200x128xf32, #tpu.memory_space<vmem>>)
    %add3A_110 = arith.constant 600 : i32
    %add3A_111 = arith.addi %mul3A_2, %add3A_110 : i32
    %dma_start3A_112 = arith.constant 0 : i32
    %dma_start3A_113 = tpu.memref_slice %arg4[%add3A_111, %dma_start3A_112] : memref<3276800x128xf32, #tpu.memory_space<hbm>> -> memref<200x128xf32, #tpu.memory_space<hbm>>
    %dma_start3A_114 = arith.constant 0 : i32
    %dma_start3A_115 = tpu.memref_slice %arg4[%add3A_111, %dma_start3A_114] : memref<3276800x128xf32, #tpu.memory_space<hbm>> -> memref<200x128xf32, #tpu.memory_space<hbm>>
    tpu.enqueue_dma source(%arg11 : memref<200x128xf32, #tpu.memory_space<vmem>>) target(%dma_start3A_115 : memref<200x128xf32, #tpu.memory_space<hbm>>) target_semaphore(%arg19 : memref<!tpu.dma_semaphore, #tpu.memory_space<semaphore_mem>>)
    %scan3A = arith.constant 0 : i32
    %scan3A_116 = arith.constant 126 : i32
    %scan3A_117 = arith.addi %scan3A, %scan3A_116 : i32
    %scan3A_118 = arith.constant 1 : i32
    scf.for %scan3A_215 = %scan3A to %scan3A_117 step %scan3A_118  : i32 {
      %mul3A_216 = arith.constant 1 : i32
      %mul3A_217 = arith.muli %scan3A_215, %mul3A_216 : i32
      %add3A_218 = arith.constant 1 : i32
      %add3A_219 = arith.addi %add3A_218, %mul3A_217 : i32
      %mul3A_220 = arith.constant 4 : i32
      %mul3A_221 = arith.muli %add3A_219, %mul3A_220 : i32
      %add3A_222 = arith.constant 0 : i32
      %add3A_223 = arith.addi %mul3A_221, %add3A_222 : i32
      %sub3A = arith.constant 1 : i32
      %sub3A_224 = arith.subi %add3A_223, %sub3A : i32
      %mul3A_225 = arith.constant 200 : i32
      %mul3A_226 = arith.muli %sub3A_224, %mul3A_225 : i32
      %add3A_227 = arith.addi %mul3A_2, %mul3A_226 : i32
      %dma_wait3A_228 = arith.constant 0 : i32
      %dma_wait3A_229 = tpu.memref_slice %arg4[%add3A_227, %dma_wait3A_228] : memref<3276800x128xf32, #tpu.memory_space<hbm>> -> memref<200x128xf32, #tpu.memory_space<hbm>>
      %dma_wait3A_230 = arith.constant 0 : i32
      %dma_wait3A_231 = tpu.memref_slice %arg4[%add3A_227, %dma_wait3A_230] : memref<3276800x128xf32, #tpu.memory_space<hbm>> -> memref<200x128xf32, #tpu.memory_space<hbm>>
      tpu.wait_dma2 semaphore(%arg19 : memref<!tpu.dma_semaphore, #tpu.memory_space<semaphore_mem>>) src(%arg11 : memref<200x128xf32, #tpu.memory_space<vmem>>) dst(%dma_wait3A_231 : memref<200x128xf32, #tpu.memory_space<hbm>>)
      %add3A_232 = arith.constant 1 : i32
      %add3A_233 = arith.addi %add3A_223, %add3A_232 : i32
      %mul3A_234 = arith.constant 200 : i32
      %mul3A_235 = arith.muli %add3A_233, %mul3A_234 : i32
      %add3A_236 = arith.addi %mul3A_2, %mul3A_235 : i32
      %dma_wait3A_237 = tpu.memref_slice %arg2[%add3A_236] : memref<3276800xi32, #tpu.memory_space<hbm>> -> memref<200xi32, #tpu.memory_space<hbm>>
      %dma_wait3A_238 = tpu.memref_slice %arg2[%add3A_236] : memref<3276800xi32, #tpu.memory_space<hbm>> -> memref<200xi32, #tpu.memory_space<hbm>>
      tpu.wait_dma2 semaphore(%arg13 : memref<!tpu.dma_semaphore, #tpu.memory_space<semaphore_mem>>) src(%dma_wait3A_238 : memref<200xi32, #tpu.memory_space<hbm>>) dst(%arg7 : memref<200xi32, #tpu.memory_space<vmem>>)
      %dma_start3A_239 = arith.constant 0 : i32
      %dma_start3A_240 = arith.constant 0 : i32
      %dma_start3A_241 = tpu.memref_slice %arg5[%dma_start3A_239, %dma_start3A_240] : memref<17x128xf32, #tpu.memory_space<vmem_shared>> -> memref<17x128xf32, #tpu.memory_space<vmem_shared>>
      tpu.enqueue_indirect_dma source(%dma_start3A_241 : memref<17x128xf32, #tpu.memory_space<vmem_shared>>) target(%arg11 : memref<200x128xf32, #tpu.memory_space<vmem>>) offsets(%arg7 : memref<200xi32, #tpu.memory_space<vmem>>) semaphore(%arg17 : memref<!tpu.dma_semaphore, #tpu.memory_space<semaphore_mem>>)
      %add3A_242 = arith.constant 2 : i32
      %add3A_243 = arith.addi %add3A_223, %add3A_242 : i32
      %mul3A_244 = arith.constant 200 : i32
      %mul3A_245 = arith.muli %add3A_243, %mul3A_244 : i32
      %add3A_246 = arith.addi %mul3A_2, %mul3A_245 : i32
      %dma_start3A_247 = tpu.memref_slice %arg2[%add3A_246] : memref<3276800xi32, #tpu.memory_space<hbm>> -> memref<200xi32, #tpu.memory_space<hbm>>
      %dma_start3A_248 = tpu.memref_slice %arg2[%add3A_246] : memref<3276800xi32, #tpu.memory_space<hbm>> -> memref<200xi32, #tpu.memory_space<hbm>>
      tpu.enqueue_dma source(%dma_start3A_248 : memref<200xi32, #tpu.memory_space<hbm>>) target(%arg8 : memref<200xi32, #tpu.memory_space<vmem>>) target_semaphore(%arg14 : memref<!tpu.dma_semaphore, #tpu.memory_space<semaphore_mem>>)
      %dma_wait3A_249 = arith.constant 0 : i32
      %dma_wait3A_250 = arith.constant 0 : i32
      %dma_wait3A_251 = tpu.memref_slice %arg5[%dma_wait3A_249, %dma_wait3A_250] : memref<17x128xf32, #tpu.memory_space<vmem_shared>> -> memref<17x128xf32, #tpu.memory_space<vmem_shared>>
      tpu.wait_indirect_dma semaphore(%arg16 : memref<!tpu.dma_semaphore, #tpu.memory_space<semaphore_mem>>) src(%dma_wait3A_251 : memref<17x128xf32, #tpu.memory_space<vmem_shared>>) dst(%arg10 : memref<200x128xf32, #tpu.memory_space<vmem>>)
      %mul3A_252 = arith.constant 200 : i32
      %mul3A_253 = arith.muli %add3A_223, %mul3A_252 : i32
      %add3A_254 = arith.addi %mul3A_2, %mul3A_253 : i32
      %dma_start3A_255 = arith.constant 0 : i32
      %dma_start3A_256 = tpu.memref_slice %arg4[%add3A_254, %dma_start3A_255] : memref<3276800x128xf32, #tpu.memory_space<hbm>> -> memref<200x128xf32, #tpu.memory_space<hbm>>
      %dma_start3A_257 = arith.constant 0 : i32
      %dma_start3A_258 = tpu.memref_slice %arg4[%add3A_254, %dma_start3A_257] : memref<3276800x128xf32, #tpu.memory_space<hbm>> -> memref<200x128xf32, #tpu.memory_space<hbm>>
      tpu.enqueue_dma source(%arg10 : memref<200x128xf32, #tpu.memory_space<vmem>>) target(%dma_start3A_258 : memref<200x128xf32, #tpu.memory_space<hbm>>) target_semaphore(%arg18 : memref<!tpu.dma_semaphore, #tpu.memory_space<semaphore_mem>>)
      %add3A_259 = arith.constant 1 : i32
      %add3A_260 = arith.addi %mul3A_221, %add3A_259 : i32
      %sub3A_261 = arith.constant 1 : i32
      %sub3A_262 = arith.subi %add3A_260, %sub3A_261 : i32
      %mul3A_263 = arith.constant 200 : i32
      %mul3A_264 = arith.muli %sub3A_262, %mul3A_263 : i32
      %add3A_265 = arith.addi %mul3A_2, %mul3A_264 : i32
      %dma_wait3A_266 = arith.constant 0 : i32
      %dma_wait3A_267 = tpu.memref_slice %arg4[%add3A_265, %dma_wait3A_266] : memref<3276800x128xf32, #tpu.memory_space<hbm>> -> memref<200x128xf32, #tpu.memory_space<hbm>>
      %dma_wait3A_268 = arith.constant 0 : i32
      %dma_wait3A_269 = tpu.memref_slice %arg4[%add3A_265, %dma_wait3A_268] : memref<3276800x128xf32, #tpu.memory_space<hbm>> -> memref<200x128xf32, #tpu.memory_space<hbm>>
      tpu.wait_dma2 semaphore(%arg18 : memref<!tpu.dma_semaphore, #tpu.memory_space<semaphore_mem>>) src(%arg10 : memref<200x128xf32, #tpu.memory_space<vmem>>) dst(%dma_wait3A_269 : memref<200x128xf32, #tpu.memory_space<hbm>>)
      %add3A_270 = arith.constant 1 : i32
      %add3A_271 = arith.addi %add3A_260, %add3A_270 : i32
      %mul3A_272 = arith.constant 200 : i32
      %mul3A_273 = arith.muli %add3A_271, %mul3A_272 : i32
      %add3A_274 = arith.addi %mul3A_2, %mul3A_273 : i32
      %dma_wait3A_275 = tpu.memref_slice %arg2[%add3A_274] : memref<3276800xi32, #tpu.memory_space<hbm>> -> memref<200xi32, #tpu.memory_space<hbm>>
      %dma_wait3A_276 = tpu.memref_slice %arg2[%add3A_274] : memref<3276800xi32, #tpu.memory_space<hbm>> -> memref<200xi32, #tpu.memory_space<hbm>>
      tpu.wait_dma2 semaphore(%arg14 : memref<!tpu.dma_semaphore, #tpu.memory_space<semaphore_mem>>) src(%dma_wait3A_276 : memref<200xi32, #tpu.memory_space<hbm>>) dst(%arg8 : memref<200xi32, #tpu.memory_space<vmem>>)
      %dma_start3A_277 = arith.constant 0 : i32
      %dma_start3A_278 = arith.constant 0 : i32
      %dma_start3A_279 = tpu.memref_slice %arg5[%dma_start3A_277, %dma_start3A_278] : memref<17x128xf32, #tpu.memory_space<vmem_shared>> -> memref<17x128xf32, #tpu.memory_space<vmem_shared>>
      tpu.enqueue_indirect_dma source(%dma_start3A_279 : memref<17x128xf32, #tpu.memory_space<vmem_shared>>) target(%arg10 : memref<200x128xf32, #tpu.memory_space<vmem>>) offsets(%arg8 : memref<200xi32, #tpu.memory_space<vmem>>) semaphore(%arg16 : memref<!tpu.dma_semaphore, #tpu.memory_space<semaphore_mem>>)
      %add3A_280 = arith.constant 2 : i32
      %add3A_281 = arith.addi %add3A_260, %add3A_280 : i32
      %mul3A_282 = arith.constant 200 : i32
      %mul3A_283 = arith.muli %add3A_281, %mul3A_282 : i32
      %add3A_284 = arith.addi %mul3A_2, %mul3A_283 : i32
      %dma_start3A_285 = tpu.memref_slice %arg2[%add3A_284] : memref<3276800xi32, #tpu.memory_space<hbm>> -> memref<200xi32, #tpu.memory_space<hbm>>
      %dma_start3A_286 = tpu.memref_slice %arg2[%add3A_284] : memref<3276800xi32, #tpu.memory_space<hbm>> -> memref<200xi32, #tpu.memory_space<hbm>>
      tpu.enqueue_dma source(%dma_start3A_286 : memref<200xi32, #tpu.memory_space<hbm>>) target(%arg9 : memref<200xi32, #tpu.memory_space<vmem>>) target_semaphore(%arg15 : memref<!tpu.dma_semaphore, #tpu.memory_space<semaphore_mem>>)
      %dma_wait3A_287 = arith.constant 0 : i32
      %dma_wait3A_288 = arith.constant 0 : i32
      %dma_wait3A_289 = tpu.memref_slice %arg5[%dma_wait3A_287, %dma_wait3A_288] : memref<17x128xf32, #tpu.memory_space<vmem_shared>> -> memref<17x128xf32, #tpu.memory_space<vmem_shared>>
      tpu.wait_indirect_dma semaphore(%arg17 : memref<!tpu.dma_semaphore, #tpu.memory_space<semaphore_mem>>) src(%dma_wait3A_289 : memref<17x128xf32, #tpu.memory_space<vmem_shared>>) dst(%arg11 : memref<200x128xf32, #tpu.memory_space<vmem>>)
      %mul3A_290 = arith.constant 200 : i32
      %mul3A_291 = arith.muli %add3A_260, %mul3A_290 : i32
      %add3A_292 = arith.addi %mul3A_2, %mul3A_291 : i32
      %dma_start3A_293 = arith.constant 0 : i32
      %dma_start3A_294 = tpu.memref_slice %arg4[%add3A_292, %dma_start3A_293] : memref<3276800x128xf32, #tpu.memory_space<hbm>> -> memref<200x128xf32, #tpu.memory_space<hbm>>
      %dma_start3A_295 = arith.constant 0 : i32
      %dma_start3A_296 = tpu.memref_slice %arg4[%add3A_292, %dma_start3A_295] : memref<3276800x128xf32, #tpu.memory_space<hbm>> -> memref<200x128xf32, #tpu.memory_space<hbm>>
      tpu.enqueue_dma source(%arg11 : memref<200x128xf32, #tpu.memory_space<vmem>>) target(%dma_start3A_296 : memref<200x128xf32, #tpu.memory_space<hbm>>) target_semaphore(%arg19 : memref<!tpu.dma_semaphore, #tpu.memory_space<semaphore_mem>>)
      %add3A_297 = arith.constant 2 : i32
      %add3A_298 = arith.addi %mul3A_221, %add3A_297 : i32
      %sub3A_299 = arith.constant 1 : i32
      %sub3A_300 = arith.subi %add3A_298, %sub3A_299 : i32
      %mul3A_301 = arith.constant 200 : i32
      %mul3A_302 = arith.muli %sub3A_300, %mul3A_301 : i32
      %add3A_303 = arith.addi %mul3A_2, %mul3A_302 : i32
      %dma_wait3A_304 = arith.constant 0 : i32
      %dma_wait3A_305 = tpu.memref_slice %arg4[%add3A_303, %dma_wait3A_304] : memref<3276800x128xf32, #tpu.memory_space<hbm>> -> memref<200x128xf32, #tpu.memory_space<hbm>>
      %dma_wait3A_306 = arith.constant 0 : i32
      %dma_wait3A_307 = tpu.memref_slice %arg4[%add3A_303, %dma_wait3A_306] : memref<3276800x128xf32, #tpu.memory_space<hbm>> -> memref<200x128xf32, #tpu.memory_space<hbm>>
      tpu.wait_dma2 semaphore(%arg19 : memref<!tpu.dma_semaphore, #tpu.memory_space<semaphore_mem>>) src(%arg11 : memref<200x128xf32, #tpu.memory_space<vmem>>) dst(%dma_wait3A_307 : memref<200x128xf32, #tpu.memory_space<hbm>>)
      %add3A_308 = arith.constant 1 : i32
      %add3A_309 = arith.addi %add3A_298, %add3A_308 : i32
      %mul3A_310 = arith.constant 200 : i32
      %mul3A_311 = arith.muli %add3A_309, %mul3A_310 : i32
      %add3A_312 = arith.addi %mul3A_2, %mul3A_311 : i32
      %dma_wait3A_313 = tpu.memref_slice %arg2[%add3A_312] : memref<3276800xi32, #tpu.memory_space<hbm>> -> memref<200xi32, #tpu.memory_space<hbm>>
      %dma_wait3A_314 = tpu.memref_slice %arg2[%add3A_312] : memref<3276800xi32, #tpu.memory_space<hbm>> -> memref<200xi32, #tpu.memory_space<hbm>>
      tpu.wait_dma2 semaphore(%arg15 : memref<!tpu.dma_semaphore, #tpu.memory_space<semaphore_mem>>) src(%dma_wait3A_314 : memref<200xi32, #tpu.memory_space<hbm>>) dst(%arg9 : memref<200xi32, #tpu.memory_space<vmem>>)
      %dma_start3A_315 = arith.constant 0 : i32
      %dma_start3A_316 = arith.constant 0 : i32
      %dma_start3A_317 = tpu.memref_slice %arg5[%dma_start3A_315, %dma_start3A_316] : memref<17x128xf32, #tpu.memory_space<vmem_shared>> -> memref<17x128xf32, #tpu.memory_space<vmem_shared>>
      tpu.enqueue_indirect_dma source(%dma_start3A_317 : memref<17x128xf32, #tpu.memory_space<vmem_shared>>) target(%arg11 : memref<200x128xf32, #tpu.memory_space<vmem>>) offsets(%arg9 : memref<200xi32, #tpu.memory_space<vmem>>) semaphore(%arg17 : memref<!tpu.dma_semaphore, #tpu.memory_space<semaphore_mem>>)
      %add3A_318 = arith.constant 2 : i32
      %add3A_319 = arith.addi %add3A_298, %add3A_318 : i32
      %mul3A_320 = arith.constant 200 : i32
      %mul3A_321 = arith.muli %add3A_319, %mul3A_320 : i32
      %add3A_322 = arith.addi %mul3A_2, %mul3A_321 : i32
      %dma_start3A_323 = tpu.memref_slice %arg2[%add3A_322] : memref<3276800xi32, #tpu.memory_space<hbm>> -> memref<200xi32, #tpu.memory_space<hbm>>
      %dma_start3A_324 = tpu.memref_slice %arg2[%add3A_322] : memref<3276800xi32, #tpu.memory_space<hbm>> -> memref<200xi32, #tpu.memory_space<hbm>>
      tpu.enqueue_dma source(%dma_start3A_324 : memref<200xi32, #tpu.memory_space<hbm>>) target(%arg6 : memref<200xi32, #tpu.memory_space<vmem>>) target_semaphore(%arg12 : memref<!tpu.dma_semaphore, #tpu.memory_space<semaphore_mem>>)
      %dma_wait3A_325 = arith.constant 0 : i32
      %dma_wait3A_326 = arith.constant 0 : i32
      %dma_wait3A_327 = tpu.memref_slice %arg5[%dma_wait3A_325, %dma_wait3A_326] : memref<17x128xf32, #tpu.memory_space<vmem_shared>> -> memref<17x128xf32, #tpu.memory_space<vmem_shared>>
      tpu.wait_indirect_dma semaphore(%arg16 : memref<!tpu.dma_semaphore, #tpu.memory_space<semaphore_mem>>) src(%dma_wait3A_327 : memref<17x128xf32, #tpu.memory_space<vmem_shared>>) dst(%arg10 : memref<200x128xf32, #tpu.memory_space<vmem>>)
      %mul3A_328 = arith.constant 200 : i32
      %mul3A_329 = arith.muli %add3A_298, %mul3A_328 : i32
      %add3A_330 = arith.addi %mul3A_2, %mul3A_329 : i32
      %dma_start3A_331 = arith.constant 0 : i32
      %dma_start3A_332 = tpu.memref_slice %arg4[%add3A_330, %dma_start3A_331] : memref<3276800x128xf32, #tpu.memory_space<hbm>> -> memref<200x128xf32, #tpu.memory_space<hbm>>
      %dma_start3A_333 = arith.constant 0 : i32
      %dma_start3A_334 = tpu.memref_slice %arg4[%add3A_330, %dma_start3A_333] : memref<3276800x128xf32, #tpu.memory_space<hbm>> -> memref<200x128xf32, #tpu.memory_space<hbm>>
      tpu.enqueue_dma source(%arg10 : memref<200x128xf32, #tpu.memory_space<vmem>>) target(%dma_start3A_334 : memref<200x128xf32, #tpu.memory_space<hbm>>) target_semaphore(%arg18 : memref<!tpu.dma_semaphore, #tpu.memory_space<semaphore_mem>>)
      %add3A_335 = arith.constant 3 : i32
      %add3A_336 = arith.addi %mul3A_221, %add3A_335 : i32
      %sub3A_337 = arith.constant 1 : i32
      %sub3A_338 = arith.subi %add3A_336, %sub3A_337 : i32
      %mul3A_339 = arith.constant 200 : i32
      %mul3A_340 = arith.muli %sub3A_338, %mul3A_339 : i32
      %add3A_341 = arith.addi %mul3A_2, %mul3A_340 : i32
      %dma_wait3A_342 = arith.constant 0 : i32
      %dma_wait3A_343 = tpu.memref_slice %arg4[%add3A_341, %dma_wait3A_342] : memref<3276800x128xf32, #tpu.memory_space<hbm>> -> memref<200x128xf32, #tpu.memory_space<hbm>>
      %dma_wait3A_344 = arith.constant 0 : i32
      %dma_wait3A_345 = tpu.memref_slice %arg4[%add3A_341, %dma_wait3A_344] : memref<3276800x128xf32, #tpu.memory_space<hbm>> -> memref<200x128xf32, #tpu.memory_space<hbm>>
      tpu.wait_dma2 semaphore(%arg18 : memref<!tpu.dma_semaphore, #tpu.memory_space<semaphore_mem>>) src(%arg10 : memref<200x128xf32, #tpu.memory_space<vmem>>) dst(%dma_wait3A_345 : memref<200x128xf32, #tpu.memory_space<hbm>>)
      %add3A_346 = arith.constant 1 : i32
      %add3A_347 = arith.addi %add3A_336, %add3A_346 : i32
      %mul3A_348 = arith.constant 200 : i32
      %mul3A_349 = arith.muli %add3A_347, %mul3A_348 : i32
      %add3A_350 = arith.addi %mul3A_2, %mul3A_349 : i32
      %dma_wait3A_351 = tpu.memref_slice %arg2[%add3A_350] : memref<3276800xi32, #tpu.memory_space<hbm>> -> memref<200xi32, #tpu.memory_space<hbm>>
      %dma_wait3A_352 = tpu.memref_slice %arg2[%add3A_350] : memref<3276800xi32, #tpu.memory_space<hbm>> -> memref<200xi32, #tpu.memory_space<hbm>>
      tpu.wait_dma2 semaphore(%arg12 : memref<!tpu.dma_semaphore, #tpu.memory_space<semaphore_mem>>) src(%dma_wait3A_352 : memref<200xi32, #tpu.memory_space<hbm>>) dst(%arg6 : memref<200xi32, #tpu.memory_space<vmem>>)
      %dma_start3A_353 = arith.constant 0 : i32
      %dma_start3A_354 = arith.constant 0 : i32
      %dma_start3A_355 = tpu.memref_slice %arg5[%dma_start3A_353, %dma_start3A_354] : memref<17x128xf32, #tpu.memory_space<vmem_shared>> -> memref<17x128xf32, #tpu.memory_space<vmem_shared>>
      tpu.enqueue_indirect_dma source(%dma_start3A_355 : memref<17x128xf32, #tpu.memory_space<vmem_shared>>) target(%arg10 : memref<200x128xf32, #tpu.memory_space<vmem>>) offsets(%arg6 : memref<200xi32, #tpu.memory_space<vmem>>) semaphore(%arg16 : memref<!tpu.dma_semaphore, #tpu.memory_space<semaphore_mem>>)
      %add3A_356 = arith.constant 2 : i32
      %add3A_357 = arith.addi %add3A_336, %add3A_356 : i32
      %mul3A_358 = arith.constant 200 : i32
      %mul3A_359 = arith.muli %add3A_357, %mul3A_358 : i32
      %add3A_360 = arith.addi %mul3A_2, %mul3A_359 : i32
      %dma_start3A_361 = tpu.memref_slice %arg2[%add3A_360] : memref<3276800xi32, #tpu.memory_space<hbm>> -> memref<200xi32, #tpu.memory_space<hbm>>
      %dma_start3A_362 = tpu.memref_slice %arg2[%add3A_360] : memref<3276800xi32, #tpu.memory_space<hbm>> -> memref<200xi32, #tpu.memory_space<hbm>>
      tpu.enqueue_dma source(%dma_start3A_362 : memref<200xi32, #tpu.memory_space<hbm>>) target(%arg7 : memref<200xi32, #tpu.memory_space<vmem>>) target_semaphore(%arg13 : memref<!tpu.dma_semaphore, #tpu.memory_space<semaphore_mem>>)
      %dma_wait3A_363 = arith.constant 0 : i32
      %dma_wait3A_364 = arith.constant 0 : i32
      %dma_wait3A_365 = tpu.memref_slice %arg5[%dma_wait3A_363, %dma_wait3A_364] : memref<17x128xf32, #tpu.memory_space<vmem_shared>> -> memref<17x128xf32, #tpu.memory_space<vmem_shared>>
      tpu.wait_indirect_dma semaphore(%arg17 : memref<!tpu.dma_semaphore, #tpu.memory_space<semaphore_mem>>) src(%dma_wait3A_365 : memref<17x128xf32, #tpu.memory_space<vmem_shared>>) dst(%arg11 : memref<200x128xf32, #tpu.memory_space<vmem>>)
      %mul3A_366 = arith.constant 200 : i32
      %mul3A_367 = arith.muli %add3A_336, %mul3A_366 : i32
      %add3A_368 = arith.addi %mul3A_2, %mul3A_367 : i32
      %dma_start3A_369 = arith.constant 0 : i32
      %dma_start3A_370 = tpu.memref_slice %arg4[%add3A_368, %dma_start3A_369] : memref<3276800x128xf32, #tpu.memory_space<hbm>> -> memref<200x128xf32, #tpu.memory_space<hbm>>
      %dma_start3A_371 = arith.constant 0 : i32
      %dma_start3A_372 = tpu.memref_slice %arg4[%add3A_368, %dma_start3A_371] : memref<3276800x128xf32, #tpu.memory_space<hbm>> -> memref<200x128xf32, #tpu.memory_space<hbm>>
      tpu.enqueue_dma source(%arg11 : memref<200x128xf32, #tpu.memory_space<vmem>>) target(%dma_start3A_372 : memref<200x128xf32, #tpu.memory_space<hbm>>) target_semaphore(%arg19 : memref<!tpu.dma_semaphore, #tpu.memory_space<semaphore_mem>>)
    }
    %scan3A_119 = arith.constant 126 : i32
    %add3A_120 = arith.constant 101400 : i32
    %add3A_121 = arith.addi %mul3A_2, %add3A_120 : i32
    %dma_wait3A_122 = arith.constant 0 : i32
    %dma_wait3A_123 = tpu.memref_slice %arg4[%add3A_121, %dma_wait3A_122] : memref<3276800x128xf32, #tpu.memory_space<hbm>> -> memref<200x128xf32, #tpu.memory_space<hbm>>
    %dma_wait3A_124 = arith.constant 0 : i32
    %dma_wait3A_125 = tpu.memref_slice %arg4[%add3A_121, %dma_wait3A_124] : memref<3276800x128xf32, #tpu.memory_space<hbm>> -> memref<200x128xf32, #tpu.memory_space<hbm>>
    tpu.wait_dma2 semaphore(%arg19 : memref<!tpu.dma_semaphore, #tpu.memory_space<semaphore_mem>>) src(%arg11 : memref<200x128xf32, #tpu.memory_space<vmem>>) dst(%dma_wait3A_125 : memref<200x128xf32, #tpu.memory_space<hbm>>)
    %add3A_126 = arith.constant 101800 : i32
    %add3A_127 = arith.addi %mul3A_2, %add3A_126 : i32
    %dma_wait3A_128 = tpu.memref_slice %arg2[%add3A_127] : memref<3276800xi32, #tpu.memory_space<hbm>> -> memref<200xi32, #tpu.memory_space<hbm>>
    %dma_wait3A_129 = tpu.memref_slice %arg2[%add3A_127] : memref<3276800xi32, #tpu.memory_space<hbm>> -> memref<200xi32, #tpu.memory_space<hbm>>
    tpu.wait_dma2 semaphore(%arg13 : memref<!tpu.dma_semaphore, #tpu.memory_space<semaphore_mem>>) src(%dma_wait3A_129 : memref<200xi32, #tpu.memory_space<hbm>>) dst(%arg7 : memref<200xi32, #tpu.memory_space<vmem>>)
    %dma_start3A_130 = arith.constant 0 : i32
    %dma_start3A_131 = arith.constant 0 : i32
    %dma_start3A_132 = tpu.memref_slice %arg5[%dma_start3A_130, %dma_start3A_131] : memref<17x128xf32, #tpu.memory_space<vmem_shared>> -> memref<17x128xf32, #tpu.memory_space<vmem_shared>>
    tpu.enqueue_indirect_dma source(%dma_start3A_132 : memref<17x128xf32, #tpu.memory_space<vmem_shared>>) target(%arg11 : memref<200x128xf32, #tpu.memory_space<vmem>>) offsets(%arg7 : memref<200xi32, #tpu.memory_space<vmem>>) semaphore(%arg17 : memref<!tpu.dma_semaphore, #tpu.memory_space<semaphore_mem>>)
    %add3A_133 = arith.constant 102000 : i32
    %add3A_134 = arith.addi %mul3A_2, %add3A_133 : i32
    %dma_start3A_135 = tpu.memref_slice %arg2[%add3A_134] : memref<3276800xi32, #tpu.memory_space<hbm>> -> memref<200xi32, #tpu.memory_space<hbm>>
    %dma_start3A_136 = tpu.memref_slice %arg2[%add3A_134] : memref<3276800xi32, #tpu.memory_space<hbm>> -> memref<200xi32, #tpu.memory_space<hbm>>
    tpu.enqueue_dma source(%dma_start3A_136 : memref<200xi32, #tpu.memory_space<hbm>>) target(%arg8 : memref<200xi32, #tpu.memory_space<vmem>>) target_semaphore(%arg14 : memref<!tpu.dma_semaphore, #tpu.memory_space<semaphore_mem>>)
    %dma_wait3A_137 = arith.constant 0 : i32
    %dma_wait3A_138 = arith.constant 0 : i32
    %dma_wait3A_139 = tpu.memref_slice %arg5[%dma_wait3A_137, %dma_wait3A_138] : memref<17x128xf32, #tpu.memory_space<vmem_shared>> -> memref<17x128xf32, #tpu.memory_space<vmem_shared>>
    tpu.wait_indirect_dma semaphore(%arg16 : memref<!tpu.dma_semaphore, #tpu.memory_space<semaphore_mem>>) src(%dma_wait3A_139 : memref<17x128xf32, #tpu.memory_space<vmem_shared>>) dst(%arg10 : memref<200x128xf32, #tpu.memory_space<vmem>>)
    %add3A_140 = arith.constant 101600 : i32
    %add3A_141 = arith.addi %mul3A_2, %add3A_140 : i32
    %dma_start3A_142 = arith.constant 0 : i32
    %dma_start3A_143 = tpu.memref_slice %arg4[%add3A_141, %dma_start3A_142] : memref<3276800x128xf32, #tpu.memory_space<hbm>> -> memref<200x128xf32, #tpu.memory_space<hbm>>
    %dma_start3A_144 = arith.constant 0 : i32
    %dma_start3A_145 = tpu.memref_slice %arg4[%add3A_141, %dma_start3A_144] : memref<3276800x128xf32, #tpu.memory_space<hbm>> -> memref<200x128xf32, #tpu.memory_space<hbm>>
    tpu.enqueue_dma source(%arg10 : memref<200x128xf32, #tpu.memory_space<vmem>>) target(%dma_start3A_145 : memref<200x128xf32, #tpu.memory_space<hbm>>) target_semaphore(%arg18 : memref<!tpu.dma_semaphore, #tpu.memory_space<semaphore_mem>>)
    %add3A_146 = arith.constant 101600 : i32
    %add3A_147 = arith.addi %mul3A_2, %add3A_146 : i32
    %dma_wait3A_148 = arith.constant 0 : i32
    %dma_wait3A_149 = tpu.memref_slice %arg4[%add3A_147, %dma_wait3A_148] : memref<3276800x128xf32, #tpu.memory_space<hbm>> -> memref<200x128xf32, #tpu.memory_space<hbm>>
    %dma_wait3A_150 = arith.constant 0 : i32
    %dma_wait3A_151 = tpu.memref_slice %arg4[%add3A_147, %dma_wait3A_150] : memref<3276800x128xf32, #tpu.memory_space<hbm>> -> memref<200x128xf32, #tpu.memory_space<hbm>>
    tpu.wait_dma2 semaphore(%arg18 : memref<!tpu.dma_semaphore, #tpu.memory_space<semaphore_mem>>) src(%arg10 : memref<200x128xf32, #tpu.memory_space<vmem>>) dst(%dma_wait3A_151 : memref<200x128xf32, #tpu.memory_space<hbm>>)
    %add3A_152 = arith.constant 102000 : i32
    %add3A_153 = arith.addi %mul3A_2, %add3A_152 : i32
    %dma_wait3A_154 = tpu.memref_slice %arg2[%add3A_153] : memref<3276800xi32, #tpu.memory_space<hbm>> -> memref<200xi32, #tpu.memory_space<hbm>>
    %dma_wait3A_155 = tpu.memref_slice %arg2[%add3A_153] : memref<3276800xi32, #tpu.memory_space<hbm>> -> memref<200xi32, #tpu.memory_space<hbm>>
    tpu.wait_dma2 semaphore(%arg14 : memref<!tpu.dma_semaphore, #tpu.memory_space<semaphore_mem>>) src(%dma_wait3A_155 : memref<200xi32, #tpu.memory_space<hbm>>) dst(%arg8 : memref<200xi32, #tpu.memory_space<vmem>>)
    %dma_start3A_156 = arith.constant 0 : i32
    %dma_start3A_157 = arith.constant 0 : i32
    %dma_start3A_158 = tpu.memref_slice %arg5[%dma_start3A_156, %dma_start3A_157] : memref<17x128xf32, #tpu.memory_space<vmem_shared>> -> memref<17x128xf32, #tpu.memory_space<vmem_shared>>
    tpu.enqueue_indirect_dma source(%dma_start3A_158 : memref<17x128xf32, #tpu.memory_space<vmem_shared>>) target(%arg10 : memref<200x128xf32, #tpu.memory_space<vmem>>) offsets(%arg8 : memref<200xi32, #tpu.memory_space<vmem>>) semaphore(%arg16 : memref<!tpu.dma_semaphore, #tpu.memory_space<semaphore_mem>>)
    %add3A_159 = arith.constant 102200 : i32
    %add3A_160 = arith.addi %mul3A_2, %add3A_159 : i32
    %dma_start3A_161 = tpu.memref_slice %arg2[%add3A_160] : memref<3276800xi32, #tpu.memory_space<hbm>> -> memref<200xi32, #tpu.memory_space<hbm>>
    %dma_start3A_162 = tpu.memref_slice %arg2[%add3A_160] : memref<3276800xi32, #tpu.memory_space<hbm>> -> memref<200xi32, #tpu.memory_space<hbm>>
    tpu.enqueue_dma source(%dma_start3A_162 : memref<200xi32, #tpu.memory_space<hbm>>) target(%arg9 : memref<200xi32, #tpu.memory_space<vmem>>) target_semaphore(%arg15 : memref<!tpu.dma_semaphore, #tpu.memory_space<semaphore_mem>>)
    %dma_wait3A_163 = arith.constant 0 : i32
    %dma_wait3A_164 = arith.constant 0 : i32
    %dma_wait3A_165 = tpu.memref_slice %arg5[%dma_wait3A_163, %dma_wait3A_164] : memref<17x128xf32, #tpu.memory_space<vmem_shared>> -> memref<17x128xf32, #tpu.memory_space<vmem_shared>>
    tpu.wait_indirect_dma semaphore(%arg17 : memref<!tpu.dma_semaphore, #tpu.memory_space<semaphore_mem>>) src(%dma_wait3A_165 : memref<17x128xf32, #tpu.memory_space<vmem_shared>>) dst(%arg11 : memref<200x128xf32, #tpu.memory_space<vmem>>)
    %add3A_166 = arith.constant 101800 : i32
    %add3A_167 = arith.addi %mul3A_2, %add3A_166 : i32
    %dma_start3A_168 = arith.constant 0 : i32
    %dma_start3A_169 = tpu.memref_slice %arg4[%add3A_167, %dma_start3A_168] : memref<3276800x128xf32, #tpu.memory_space<hbm>> -> memref<200x128xf32, #tpu.memory_space<hbm>>
    %dma_start3A_170 = arith.constant 0 : i32
    %dma_start3A_171 = tpu.memref_slice %arg4[%add3A_167, %dma_start3A_170] : memref<3276800x128xf32, #tpu.memory_space<hbm>> -> memref<200x128xf32, #tpu.memory_space<hbm>>
    tpu.enqueue_dma source(%arg11 : memref<200x128xf32, #tpu.memory_space<vmem>>) target(%dma_start3A_171 : memref<200x128xf32, #tpu.memory_space<hbm>>) target_semaphore(%arg19 : memref<!tpu.dma_semaphore, #tpu.memory_space<semaphore_mem>>)
    %add3A_172 = arith.constant 101800 : i32
    %add3A_173 = arith.addi %mul3A_2, %add3A_172 : i32
    %dma_wait3A_174 = arith.constant 0 : i32
    %dma_wait3A_175 = tpu.memref_slice %arg4[%add3A_173, %dma_wait3A_174] : memref<3276800x128xf32, #tpu.memory_space<hbm>> -> memref<200x128xf32, #tpu.memory_space<hbm>>
    %dma_wait3A_176 = arith.constant 0 : i32
    %dma_wait3A_177 = tpu.memref_slice %arg4[%add3A_173, %dma_wait3A_176] : memref<3276800x128xf32, #tpu.memory_space<hbm>> -> memref<200x128xf32, #tpu.memory_space<hbm>>
    tpu.wait_dma2 semaphore(%arg19 : memref<!tpu.dma_semaphore, #tpu.memory_space<semaphore_mem>>) src(%arg11 : memref<200x128xf32, #tpu.memory_space<vmem>>) dst(%dma_wait3A_177 : memref<200x128xf32, #tpu.memory_space<hbm>>)
    %add3A_178 = arith.constant 102200 : i32
    %add3A_179 = arith.addi %mul3A_2, %add3A_178 : i32
    %dma_wait3A_180 = tpu.memref_slice %arg2[%add3A_179] : memref<3276800xi32, #tpu.memory_space<hbm>> -> memref<200xi32, #tpu.memory_space<hbm>>
    %dma_wait3A_181 = tpu.memref_slice %arg2[%add3A_179] : memref<3276800xi32, #tpu.memory_space<hbm>> -> memref<200xi32, #tpu.memory_space<hbm>>
    tpu.wait_dma2 semaphore(%arg15 : memref<!tpu.dma_semaphore, #tpu.memory_space<semaphore_mem>>) src(%dma_wait3A_181 : memref<200xi32, #tpu.memory_space<hbm>>) dst(%arg9 : memref<200xi32, #tpu.memory_space<vmem>>)
    %dma_start3A_182 = arith.constant 0 : i32
    %dma_start3A_183 = arith.constant 0 : i32
    %dma_start3A_184 = tpu.memref_slice %arg5[%dma_start3A_182, %dma_start3A_183] : memref<17x128xf32, #tpu.memory_space<vmem_shared>> -> memref<17x128xf32, #tpu.memory_space<vmem_shared>>
    tpu.enqueue_indirect_dma source(%dma_start3A_184 : memref<17x128xf32, #tpu.memory_space<vmem_shared>>) target(%arg11 : memref<200x128xf32, #tpu.memory_space<vmem>>) offsets(%arg9 : memref<200xi32, #tpu.memory_space<vmem>>) semaphore(%arg17 : memref<!tpu.dma_semaphore, #tpu.memory_space<semaphore_mem>>)
    %dma_wait3A_185 = arith.constant 0 : i32
    %dma_wait3A_186 = arith.constant 0 : i32
    %dma_wait3A_187 = tpu.memref_slice %arg5[%dma_wait3A_185, %dma_wait3A_186] : memref<17x128xf32, #tpu.memory_space<vmem_shared>> -> memref<17x128xf32, #tpu.memory_space<vmem_shared>>
    tpu.wait_indirect_dma semaphore(%arg16 : memref<!tpu.dma_semaphore, #tpu.memory_space<semaphore_mem>>) src(%dma_wait3A_187 : memref<17x128xf32, #tpu.memory_space<vmem_shared>>) dst(%arg10 : memref<200x128xf32, #tpu.memory_space<vmem>>)
    %add3A_188 = arith.constant 102000 : i32
    %add3A_189 = arith.addi %mul3A_2, %add3A_188 : i32
    %dma_start3A_190 = arith.constant 0 : i32
    %dma_start3A_191 = tpu.memref_slice %arg4[%add3A_189, %dma_start3A_190] : memref<3276800x128xf32, #tpu.memory_space<hbm>> -> memref<200x128xf32, #tpu.memory_space<hbm>>
    %dma_start3A_192 = arith.constant 0 : i32
    %dma_start3A_193 = tpu.memref_slice %arg4[%add3A_189, %dma_start3A_192] : memref<3276800x128xf32, #tpu.memory_space<hbm>> -> memref<200x128xf32, #tpu.memory_space<hbm>>
    tpu.enqueue_dma source(%arg10 : memref<200x128xf32, #tpu.memory_space<vmem>>) target(%dma_start3A_193 : memref<200x128xf32, #tpu.memory_space<hbm>>) target_semaphore(%arg18 : memref<!tpu.dma_semaphore, #tpu.memory_space<semaphore_mem>>)
    %add3A_194 = arith.constant 102000 : i32
    %add3A_195 = arith.addi %mul3A_2, %add3A_194 : i32
    %dma_wait3A_196 = arith.constant 0 : i32
    %dma_wait3A_197 = tpu.memref_slice %arg4[%add3A_195, %dma_wait3A_196] : memref<3276800x128xf32, #tpu.memory_space<hbm>> -> memref<200x128xf32, #tpu.memory_space<hbm>>
    %dma_wait3A_198 = arith.constant 0 : i32
    %dma_wait3A_199 = tpu.memref_slice %arg4[%add3A_195, %dma_wait3A_198] : memref<3276800x128xf32, #tpu.memory_space<hbm>> -> memref<200x128xf32, #tpu.memory_space<hbm>>
    tpu.wait_dma2 semaphore(%arg18 : memref<!tpu.dma_semaphore, #tpu.memory_space<semaphore_mem>>) src(%arg10 : memref<200x128xf32, #tpu.memory_space<vmem>>) dst(%dma_wait3A_199 : memref<200x128xf32, #tpu.memory_space<hbm>>)
    %dma_wait3A_200 = arith.constant 0 : i32
    %dma_wait3A_201 = arith.constant 0 : i32
    %dma_wait3A_202 = tpu.memref_slice %arg5[%dma_wait3A_200, %dma_wait3A_201] : memref<17x128xf32, #tpu.memory_space<vmem_shared>> -> memref<17x128xf32, #tpu.memory_space<vmem_shared>>
    tpu.wait_indirect_dma semaphore(%arg17 : memref<!tpu.dma_semaphore, #tpu.memory_space<semaphore_mem>>) src(%dma_wait3A_202 : memref<17x128xf32, #tpu.memory_space<vmem_shared>>) dst(%arg11 : memref<200x128xf32, #tpu.memory_space<vmem>>)
    %add3A_203 = arith.constant 102200 : i32
    %add3A_204 = arith.addi %mul3A_2, %add3A_203 : i32
    %dma_start3A_205 = arith.constant 0 : i32
    %dma_start3A_206 = tpu.memref_slice %arg4[%add3A_204, %dma_start3A_205] : memref<3276800x128xf32, #tpu.memory_space<hbm>> -> memref<200x128xf32, #tpu.memory_space<hbm>>
    %dma_start3A_207 = arith.constant 0 : i32
    %dma_start3A_208 = tpu.memref_slice %arg4[%add3A_204, %dma_start3A_207] : memref<3276800x128xf32, #tpu.memory_space<hbm>> -> memref<200x128xf32, #tpu.memory_space<hbm>>
    tpu.enqueue_dma source(%arg11 : memref<200x128xf32, #tpu.memory_space<vmem>>) target(%dma_start3A_208 : memref<200x128xf32, #tpu.memory_space<hbm>>) target_semaphore(%arg19 : memref<!tpu.dma_semaphore, #tpu.memory_space<semaphore_mem>>)
    %add3A_209 = arith.constant 102200 : i32
    %add3A_210 = arith.addi %mul3A_2, %add3A_209 : i32
    %dma_wait3A_211 = arith.constant 0 : i32
    %dma_wait3A_212 = tpu.memref_slice %arg4[%add3A_210, %dma_wait3A_211] : memref<3276800x128xf32, #tpu.memory_space<hbm>> -> memref<200x128xf32, #tpu.memory_space<hbm>>
    %dma_wait3A_213 = arith.constant 0 : i32
    %dma_wait3A_214 = tpu.memref_slice %arg4[%add3A_210, %dma_wait3A_213] : memref<3276800x128xf32, #tpu.memory_space<hbm>> -> memref<200x128xf32, #tpu.memory_space<hbm>>
    tpu.wait_dma2 semaphore(%arg19 : memref<!tpu.dma_semaphore, #tpu.memory_space<semaphore_mem>>) src(%arg11 : memref<200x128xf32, #tpu.memory_space<vmem>>) dst(%dma_wait3A_214 : memref<200x128xf32, #tpu.memory_space<hbm>>)
    return
  }
}

</mosaic_0001>

<sc_bundles>
// kernel: kernel.3.cloned.1.call-start
scs
__scs_entry_jumppad:
0x0: {  	(pc) =	sbr.rel $0x88, $3  }
0x1: {  	(tag) =	ssettag $0x0;
	lr =	simm.s32 $0x1  }
0x2: {  	[smem:$0x3F9F] =	sst lr;
	_ =	strace $0xD0000000  }
0x3: {  	_ = 	snop  }
0x4: {  	_ = 	snop  }
0x5: {  	_ = 	snop  }
0x6: {  	_ = 	snop  }
0x7: {  	_ = 	snop  }
__scs_overlays_trampoline_lowered:
0x8: {  	[smem:$0x3FAE] =	sst s0  }
0x9: {  	[smem:$0x3FAF] =	sst s1  }
0xa: {  	[smem:$0x3FB0] =	sst s2  }
0xb: {  	[smem:$0x3FB1] =	sst s3  }
0xc: {  	[smem:$0x3FB2] =	sst s4  }
0xd: {  	[smem:$0x3FB3] =	sst s5  }
0xe: {  	[smem:$0x3FB4] =	sst s6  }
0xf: {  	[smem:$0x3FB5] =	sst s7  }
0x10: {  	[smem:$0x3FB6] =	sst s8  }
0x11: {  	[smem:$0x3FB7] =	sst s9;
	s0 =	simm.s32 @!p0 $0x0  }
0x12: {  	s1 =	sld [smem:$0x3F9D];
	s0 =	simm.s32 @p0 $0x1  }
0x13: {  	[smem:$0x3FB8] =	sst s0;
	s0 =	simm.s32 @!p1 $0x0  }
0x14: {  	s2 =	sld [smem:$0x3F9C];
	s0 =	simm.s32 @p1 $0x1  }
0x15: {  	[smem:$0x3FB9] =	sst s0;
	s0 =	simm.s32 @!p2 $0x0  }
0x16: {  	s3 =	sld [smem:$0x3FDB];
	s0 =	simm.s32 @p2 $0x1  }
0x17: {  	s4 =	simm.s32 $0x1BF5;
	[smem:$0x3FBB] =	sst s0  }
0x18: {  	s0 =	sld [smem:$0x3F9E];
	_ =	swait.ge [sflag:s4], $0x0  }
0x19: {  	s7 =	sld [smem:$0x3F9F]  }
0x1a: {  	s8 =	sadd.s32 $0xFFFFE003, lr  }
0x1b: {  	s9 =	sadd.s32 $0xFFFFFEF7, lr;
	s5 =	simm.s32 $0xFFFFFFFF;
	p2 =	slt.u32 s8, $0xFFFFF086  }
0x1c: {  	p1 =	slt.u32 s9, $0xF7A;
	s5 =	simm.s32 @!p2 $0x0  }
0x1d: {  	s5 =	simm.s32 @p1 $0x1;
	p0 =	seq.s32 s7, s2  }
0x1e: {  	s7 =	smul.u32 @!p0 $0xF7A, s2;
	p2 =	seq.s32 @!p0 s5, $0x0  }
0x1f: {  	s9 =	smul.u32 $0xF7A, s1;
	s8 =	simm.s32 @!p0 $0x1BF5;
	p2 =	por !p2, p0  }
0x20: {  	[sflag:s8] =	ssyncset.s32 @!p0 $0xFFFFF086;
	s6 =	sadd.s32 @!p0 s3, s7;
	s7 =	simm.s32 @!p0 $0x108  }
0x21: {  	s3 =	sadd.s32 s3, s9;
	s6 =	sadd.s32 @!p0 $0x88, s6;
	s7 =	simm.s32 @p2 $0x1082  }
0x22: {  	[simem:s7], [sflag:s8] =	dma.local @!p0 [hbm:s6], $0xF7A  }
0x23: {  	s9 =	sor.u32 $0xD0000000, s2;
	s6 =	simm.s32 $0x108;
	_ =	swait.ge @!p0 [sflag:s8], $0x0  }
0x24: {  	s3 =	sadd.s32 $0x88, s3;
	s6 =	simm.s32 @!p1 $0x1082;
	[sflag:s4] =	ssyncset.s32 $0xFFFFF086  }
0x25: {  	[simem:s6], [sflag:s4] =	dma.local [hbm:s3], $0xF7A  }
0x26: {  	[smem:$0x3F9F] =	sst s1;
	(tag) =	ssettag s2;
	_ =	strace s9  }
0x27: {  	s1 =	sld [smem:$0x3FAF]  }
0x28: {  	s2 =	sld [smem:$0x3FB0]  }
0x29: {  	s4 =	sld [smem:$0x3FB2]  }
0x2a: {  	p0 =	seq.s32 s5, $0x0;
	s5 =	sld [smem:$0x3FB3]  }
0x2b: {  	s6 =	sld [smem:$0x3FB4]  }
0x2c: {  	s7 =	sld [smem:$0x3FB5]  }
0x2d: {  	s3 =	simm.s32 $0x108;
	s8 =	sld [smem:$0x3FB6]  }
0x2e: {  	s3 =	simm.s32 @!p0 $0x1082;
	s9 =	sld [smem:$0x3FB7]  }
0x2f: {  	lr =	sadd.s32 s0, s3;
	s0 =	sld [smem:$0x3FAE]  }
0x30: {  	s3 =	sld [smem:$0x3FB1]  }
0x31: {  	[smem:$0x3FBA] =	sst s10  }
0x32: {  	s10 =	sld [smem:$0x3FB8];
	_ =	sdelay $0x3  }
0x33: {  	p0 =	seq.s32 s10, $0x1;
	s10 =	sld [smem:$0x3FBA];
	_ =	sdelay $0x3  }
0x34: {  	[smem:$0x3FBA] =	sst s10  }
0x35: {  	s10 =	sld [smem:$0x3FB9];
	_ =	sdelay $0x3  }
0x36: {  	p1 =	seq.s32 s10, $0x1;
	s10 =	sld [smem:$0x3FBA];
	_ =	sdelay $0x3  }
0x37: {  	[smem:$0x3FBA] =	sst s10  }
0x38: {  	s10 =	sld [smem:$0x3FBB]  }
0x39: {  	_ = 	snop;
	(pc) =	sbr.ind lr, $3  }
0x3a: {  	_ = 	snop  }
0x3b: {  	_ = 	snop  }
0x3c: {  	p2 =	seq.s32 s10, $0x1;
	s10 =	sld [smem:$0x3FBA]  }
0x3d: {  	_ =	shalt  }
0x3e: {  	_ =	shalt  }
0x3f: {  	_ =	shalt  }
0x40: {  	_ =	shalt  }
0x41: {  	_ =	shalt  }
0x42: {  	_ =	shalt  }
0x43: {  	_ =	shalt  }
0x44: {  	_ =	shalt  }
0x45: {  	_ =	shalt  }
0x46: {  	_ =	shalt  }
0x47: {  	_ =	shalt  }
0x48: {  	_ =	shalt  }
0x49: {  	_ =	shalt  }
0x4a: {  	_ =	shalt  }
0x4b: {  	_ =	shalt  }
0x4c: {  	_ =	shalt  }
0x4d: {  	_ =	shalt  }
0x4e: {  	_ =	shalt  }
0x4f: {  	_ =	shalt  }
0x50: {  	_ =	shalt  }
0x51: {  	_ =	shalt  }
0x52: {  	_ =	shalt  }
0x53: {  	_ =	shalt  }
0x54: {  	_ =	shalt  }
0x55: {  	_ =	shalt  }
0x56: {  	_ =	shalt  }
0x57: {  	_ =	shalt  }
0x58: {  	_ =	shalt  }
0x59: {  	_ =	shalt  }
0x5a: {  	_ =	shalt  }
0x5b: {  	_ =	shalt  }
0x5c: {  	_ =	shalt  }
0x5d: {  	_ =	shalt  }
0x5e: {  	_ =	shalt  }
0x5f: {  	_ =	shalt  }
0x60: {  	_ =	shalt  }
0x61: {  	_ =	shalt  }
0x62: {  	_ =	shalt  }
0x63: {  	_ =	shalt  }
0x64: {  	_ =	shalt  }
0x65: {  	_ =	shalt  }
0x66: {  	_ =	shalt  }
0x67: {  	_ =	shalt  }
0x68: {  	_ =	shalt  }
0x69: {  	_ =	shalt  }
0x6a: {  	_ =	shalt  }
0x6b: {  	_ =	shalt  }
0x6c: {  	_ =	shalt  }
0x6d: {  	_ =	shalt  }
0x6e: {  	_ =	shalt  }
0x6f: {  	_ =	shalt  }
0x70: {  	_ =	shalt  }
0x71: {  	_ =	shalt  }
0x72: {  	_ =	shalt  }
0x73: {  	_ =	shalt  }
0x74: {  	_ =	shalt  }
0x75: {  	_ =	shalt  }
0x76: {  	_ =	shalt  }
0x77: {  	_ =	shalt  }
0x78: {  	_ =	shalt  }
0x79: {  	_ =	shalt  }
0x7a: {  	_ =	shalt  }
0x7b: {  	_ =	shalt  }
0x7c: {  	_ =	shalt  }
0x7d: {  	_ =	shalt  }
0x7e: {  	_ =	shalt  }
0x7f: {  	_ =	shalt  }
0x80: {  	_ =	shalt  }
0x81: {  	_ =	shalt  }
0x82: {  	_ =	shalt  }
0x83: {  	_ =	shalt  }
0x84: {  	_ =	shalt  }
0x85: {  	_ =	shalt  }
0x86: {  	_ =	shalt  }
0x87: {  	_ =	shalt  }
.Lfunc_end0:
.L_simem_size_0:
called_computation_lowered:
.L_overlay_start_0:
0x88: {  	s2 =	sld [smem:$0x3FD9]  }
0x89: {  	s3 =	sld [smem:$0x3FFE];
	_ =	sdelay $0x1  }
0x8a: {  	s1 =	srdreg.scid  }
0x8b: {  	s0 =	sand.u32 $0x1, s1  }
0x8c: {  	s17 =	sshll.u32 s0, $0xA;
	s2 =	sadd.s32 s3, s2  }
0x8d: {  	s2 =	sadd.s32 s2, s17  }
0x8e: {  	[smem:$0x3FC6] =	sst s2  }
0x8f: {  	_ = 	snop  }
0x90: {  	s2 =	sld [smem:$0x3FC8]  }
0x91: {  	s18 =	sld [smem:$0x3FD0];
	(tm) =	ssettm $0x1  }
0x92: {  	s4 =	sld [smem:$0x3FFB];
	_ =	sdelay $0x3  }
0x93: {  	_ =	strace s4  }
0x94: {  	s4 =	sld [smem:$0x3FFC];
	_ =	sdelay $0x3  }
0x95: {  	_ =	strace s4  }
0x96: {  	s4 =	sld [smem:$0x3FFD];
	_ =	sdelay $0x3  }
0x97: {  	_ =	strace s4  }
0x98: {  	_ =	strace $0x8FFFFFFF  }
0x99: {  	s19 =	sld [smem:$0x3FDB];
	_ =	sdelay $0x1  }
0x9a: {  	s5 =	simm.s32 $_scs_section_size  }
0x9b: {  	s6 =	simm.s32 $_size__tile_overlayer_lowered;
	s7 =	simm.s32 $_tile_overlayer_lowered  }
0x9c: {  	s22 =	simm.s32 $0x1BFF;
	s21 =	sshll.u32 s7, $0x1;
	s4 =	sadd.s32 s5, s19  }
0x9d: {  	s8 =	simm.s32 $0x0;
	s20 =	sshll.u32 s6, $0x1;
	s6 =	sadd.s32 s21, s4  }
0x9e: {  	[timem:s8], [sflag:s22] =	dma.local [hbm:s6], s20  }
0x9f: {  	_ =	swait.ge [sflag:s22], s20  }
0xa0: {  	s5 =	ssub.s32 $0x0, s20;
	[sflag:s22] =	ssyncset.done $0x0  }
0xa1: {  	[sflag:s22] =	ssyncadd.s32 s5;
	_ =	sdelay $0x1  }
0xa2: {  	s23 =	simm.s32 $0x1B8B  }
0xa3: {  	_ =	swait.ge [sflag:s23], $0x1  }
0xa4: {  	[sflag:s23] =	ssyncset.done $0x0  }
0xa5: {  	s25 =	simm.s32 $0x1B8E;
	s24 =	sld [smem:$0x3FFE];
	[sflag:s23] =	ssyncadd.s32 $0xFFFFFFFF  }
0xa6: {  	s26 =	simm.s32 $execute0_lowered;
	[smem:$0x3FD2] =	sst s25  }
0xa7: {  	s6 =	sshll.u32 s26, $0x1;
	_ =	strace $0x80000046;
	[dreg:$0x1] =	wrdreg $0xFFFFFFFF  }
0xa8: {  	s28 =	simm.s32 $_size_execute0_lowered;
	s4 =	sadd.s32 s4, s6;
	[dreg:$0x0] =	wrdreg $0x0  }
0xa9: {  	s6 =	sshll.u32 s28, $0x1;
	[dreg:$0x2] =	wrdreg s4  }
0xaa: {  	[dreg:$0x3] =	wrdreg s6  }
0xab: {  	[dreg:$0x4] =	wrdreg $0xC0  }
0xac: {  	_ =	task [dreg:s8], $0x5FFFF  }
0xad: {  	[dreg:$0x1] =	wrdreg $0xFFFFFFFF  }
0xae: {  	[dreg:$0x0] =	wrdreg $0x60  }
0xaf: {  	[dreg:$0x2] =	wrdreg s24  }
0xb0: {  	[dreg:$0x3] =	wrdreg s2  }
0xb1: {  	[dreg:$0x4] =	wrdreg s18  }
0xb2: {  	[dreg:$0x5] =	wrdreg $0x0  }
0xb3: {  	[dreg:$0x6] =	wrdreg $0x9  }
0xb4: {  	_ =	task.clear_ibuf [dreg:s8], $0x7FFFF;
	_ =	strace $0x90000046  }
0xb5: {  	s29 =	simm.s32 $0x9;
	_ =	strace $0x80000048  }
0xb6: {  	_ =	swait.ge [sflag:s29], $0x1  }
0xb7: {  	[sflag:s29] =	ssyncadd.s32 $0xFFFFFFFF  }
0xb8: {  	_ =	strace $0x90000048  }
0xb9: {  	_ =	sfence  }
0xba: {  	s30 =	sld [smem:$0x0];
	_ =	sdelay $0x2  }
0xbb: {  	s31 =	sshll.u32 s1, $0xD;
	s1 =	sshrl.u32 s1, $0x2  }
0xbc: {  	s3 =	sand.u32 $0x4000, s31;
	s1 =	sadd.s32 s1, s30  }
0xbd: {  	s0 =	sor.u32 s3, s0;
	s1 =	sshll.u32 s1, $0x11  }
0xbe: {  	s0 =	sor.u32 s1, s0  }
0xbf: {  	s0 =	sadd.s32 $0x8F2B, s0  }
0xc0: {  	[sflag:s0] =	ssyncadd.remote.s32 $0x1  }
0xc1: {  	_ =	sfence.sel $0xFFFF  }
0xc2: {  	[dreg:$0x0] =	wrdreg $0xFFFFFFFF;
	(pc) =	sbr.abs _section_cstart, $3  }
0xc3: {  	[dreg:$0x1] =	wrdreg $0xFFFFFFFF  }
0xc4: {  	_ =	task.clear_ibuf [dreg:s8], $0x2FFFF;
	_ =	strace $0x9FFFFFFF  }
0xc5: {  	(tm) =	ssettm $0x7FFFFFFF  }
tec
execute0_lowered:
.L_overlay_start_1:
0x0: {  	(tag) =	ssettag $0x1  }
0x1: {  	s1 =	rddreg [dreg:$0x0]  }
0x2: {  	s4 =	rddreg [dreg:$0x2];
	s3 =	srdreg.scid  }
0x3: {  	s0 =	stileid.u32;
	s2 =	rddreg [dreg:$0x3]  }
0x4: {  	s28 =	simm.s32 $0x1;
	s29 =	simm.s32 $0xC8;
	s30 =	simm.s32 $0x488  }
0x5: {  	s31 =	simm.s32 $0x2;
	s5 =	sand.u32 $0x1, s3;
	s6 =	sshll.u32 s0, $0x1  }
0x6: {  	s3 =	simm.s32 $0x0;
	s1 =	sadd.s32 $0x400, s1;
	s16 =	smul.u32 $0x19000, s5  }
0x7: {  	s6 =	sor.u32 s5, s6;
	s8 =	ssub.s32 $0x2, s5;
	s5 =	smul.u32 $0x190000, s5  }
0x8: {  	p0 =	sne.s32 s0, $0x0;
	[smem:$0x7FF] =	sst s3;
	s7 =	smul.u32 $0x19000, s6  }
0x9: {  	_ =	strace $0x80000047;
	s9 =	sshrl.u32 s8, $0x1;
	s12 =	smul.u32 $0x190000, s6  }
0xa: {  	s6 =	smul.u32 $0xC80000, s6;
	s8 =	ssub.s32 s8, s9;
	s10 =	sor.u32 $0xC8, s7  }
0xb: {  	s21 =	sshrl.u32 s7, $0x3;
	s23 =	sor.u32 $0x190, s7;
	s13 =	sor.u32 $0x258, s7  }
0xc: {  	s12 =	sadd.s32 s4, s12;
	s18 =	sadd.s32 $0x18E70, s7;
	s7 =	sadd.s32 $0x18F38, s7  }
0xd: {  	s6 =	sshrl.u32 s6, $0x3;
	s11 =	sshrl.u32 s10, $0x3;
	s14 =	sadd.s32 s1, s21  }
0xe: {  	s24 =	sshrl.u32 s23, $0x3;
	s25 =	sshrl.u32 s13, $0x3;
	[dreg:$0x9] =	wrdreg s12  }
0xf: {  	s10 =	sshll.u32 s10, $0x4;
	s22 =	sadd.s32 s1, s11;
	[dreg:$0x6] =	wrdreg s14  }
0x10: {  	s9 =	sshll.u32 s23, $0x4;
	s11 =	sadd.s32 s1, s24;
	[dreg:$0x7] =	wrdreg s22  }
0x11: {  	s15 =	sshll.u32 s13, $0x4;
	s10 =	sadd.s32 s4, s10;
	[dreg:$0x8] =	wrdreg s11  }
0x12: {  	s19 =	sshrl.u32 s18, $0x3;
	s26 =	sadd.s32 $0x64, s14;
	[dreg:$0xb] =	wrdreg s10  }
0x13: {  	s6 =	sadd.s32 s4, s6;
	s9 =	sadd.s32 s4, s9;
	[dreg:$0xc] =	wrdreg s26  }
0x14: {  	s23 =	smul.u32 $0x320000, s0;
	s17 =	sadd.s32 $0x7D, s14;
	[dreg:$0xd] =	wrdreg s9  }
0x15: {  	s20 =	sadd.s32 s1, s19;
	s11 =	sadd.s32 s1, s25;
	[dreg:$0xe] =	wrdreg s17  }
0x16: {  	s9 =	sadd.s32 s4, s15;
	[dreg:$0x10] =	wrdreg s20;
	s22 =	sshrl.u32 s7, $0x3  }
0x17: {  	s7 =	sshll.u32 s7, $0x4;
	[dreg:$0xa] =	wrdreg s11;
	s11 =	smul.u32 $0x32000, s0  }
0x18: {  	[dreg:$0xf] =	wrdreg s9;
	s12 =	sadd.s32 s1, s22;
	s9 =	sshll.u32 s18, $0x4  }
0x19: {  	s17 =	sadd.s32 s4, s7;
	s22 =	sadd.s32 $0x18DA80, s6;
	s0 =	simm.s32 $0x288  }
0x1a: {  	[dreg:$0x11] =	wrdreg s12;
	s9 =	sadd.s32 s4, s9;
	s4 =	sadd.s32 s23, s4  }
0x1b: {  	s23 =	smax.u32 s8, $0x1;
	s8 =	simm.s32 $0x388;
	s12 =	simm.s32 $0x0  }
0x1c: {  	s10 =	sadd.s32 s16, s11;
	[dreg:$0x12] =	wrdreg s9;
	s4 =	sadd.s32 s5, s4  }
0x1d: {  	s21 =	sor.u32 $0x708, s10;
	s24 =	sor.u32 $0x640, s10;
	s25 =	sor.u32 $0x578, s10  }
0x1e: {  	s26 =	sor.u32 $0x4B0, s10;
	s14 =	sadd.s32 $0x5780, s4;
	s10 =	simm.s32 $0x8  }
0x1f: {  	s11 =	sshrl.u32 s21, $0x3;
	s7 =	sshrl.u32 s24, $0x3;
	s5 =	sshrl.u32 s25, $0x3  }
0x20: {  	s9 =	sshrl.u32 s26, $0x3;
	s21 =	sadd.s32 $0x18CE00, s6;
	s25 =	simm.s32 $0x88  }
0x21: {  	s26 =	simm.s32 $0x188;
	s6 =	simm.s32 $0x7;
	s11 =	sadd.s32 s11, s1  }
0x22: {  	s18 =	sadd.s32 s7, s1;
	s19 =	sadd.s32 s5, s1;
	s20 =	sadd.s32 s9, s1  }
0x23: {  	s1 =	simm.s32 $0x6888;
	s5 =	simm.s32 $0x5;
	s7 =	simm.s32 $0x3  }
0x24: {  	s9 =	simm.s32 $0x6;
	[dreg:$0x5] =	wrdreg s11;
	s11 =	simm.s32 $0x4  }
.LBB2_1:
0x25: {  	s4 =	sshrl.u32 @!p0 s2, $0x3;
	s13 =	simm.s32 @!p0 $0x1C09;
	s15 =	rddreg [dreg:$0x1]  }
0x26: {  	[spmem:s4], [sflag:s13] =	dma.local @!p0 [hbm:s15], $0x110  }
0x27: {  	s4 =	simm.s32 @!p0 $0x9  }
0x28: {  	_ =	swait.ge @!p0 [sflag:s4], $0x110  }
0x29: {  	[sflag:s4] =	ssyncset.done @!p0 $0x0  }
0x2a: {  	[sflag:s4] =	ssyncadd.s32 @!p0 $0xFFFFFEF0  }
0x2b: {  	[bflag:$0x0] =	sbarrier.arrive $0xFFFF  }
0x2c: {  	s24 =	rddreg [dreg:$0x6]  }
0x2d: {  	[tilespmem:s25], [sflag:$0x1] =	stream.linear.gather [hbm4b:s24+s3], $0xC8, $0x38;
	[tilespmem:$0xCC88] =	vst v63  }
0x2e: {  	s13 =	rddreg [dreg:$0x7]  }
0x2f: {  	[tilespmem:s26], [sflag:$0x2] =	stream.linear.gather [hbm4b:s13+s3], $0xC8, $0x38;
	[tilespmem:$0xCC88] =	vst v63  }
0x30: {  	_ =	swait.ge [sflag:s28], $0xC8  }
0x31: {  	[sflag:s28] =	ssyncset.done $0x0  }
0x32: {  	[sflag:s28] =	ssyncadd.s32 $0xFFFFFF38  }
0x33: {  	[tilespmem:s30], [sflag:$0x5] =	stream.indirect.gather [spmem:s2], $0x80, s25, s29, $0xb8;
	[tilespmem:$0xCC88] =	vst v63  }
0x34: {  	_ =	swait.ge [sflag:s31], $0xC8  }
0x35: {  	[sflag:s31] =	ssyncset.done $0x0  }
0x36: {  	[sflag:s31] =	ssyncadd.s32 $0xFFFFFF38  }
0x37: {  	[tilespmem:s1], [sflag:$0x6] =	stream.indirect.gather [spmem:s2], $0x80, s26, s29, $0xb8;
	[tilespmem:$0xCC88] =	vst v63  }
0x38: {  	s15 =	rddreg [dreg:$0x8]  }
0x39: {  	[tilespmem:s0], [sflag:$0x3] =	stream.linear.gather [hbm4b:s15+s3], $0xC8, $0x38;
	[tilespmem:$0xCC88] =	vst v63  }
0x3a: {  	_ =	swait.ge [sflag:s5], $0x6400  }
0x3b: {  	[sflag:s5] =	ssyncset.done $0x0  }
0x3c: {  	s16 =	rddreg [dreg:$0x9];
	[sflag:s5] =	ssyncadd.s32 $0xFFFF9C00  }
0x3d: {  	[hbm4b:s16+s3] =	stream.linear.scatter [tilespmem:s30], [sflag:$0x7], $0x6400, $0x38;
	[tilespmem:$0xCC88] =	vst v63  }
0x3e: {  	_ =	swait.ge [sflag:s6], $0x6400  }
0x3f: {  	[sflag:s6] =	ssyncset.done $0x0  }
0x40: {  	[sflag:s6] =	ssyncadd.s32 $0xFFFF9C00  }
0x41: {  	_ =	swait.ge [sflag:s7], $0xC8  }
0x42: {  	[sflag:s7] =	ssyncset.done $0x0  }
0x43: {  	[sflag:s7] =	ssyncadd.s32 $0xFFFFFF38  }
0x44: {  	[tilespmem:s30], [sflag:$0x5] =	stream.indirect.gather [spmem:s2], $0x80, s0, s29, $0xb8;
	[tilespmem:$0xCC88] =	vst v63  }
0x45: {  	s24 =	rddreg [dreg:$0xa]  }
0x46: {  	[tilespmem:s8], [sflag:$0x4] =	stream.linear.gather [hbm4b:s24+s3], $0xC8, $0x38;
	[tilespmem:$0xCC88] =	vst v63  }
0x47: {  	_ =	swait.ge [sflag:s9], $0x6400  }
0x48: {  	[sflag:s9] =	ssyncset.done $0x0  }
0x49: {  	s13 =	rddreg [dreg:$0xb];
	[sflag:s9] =	ssyncadd.s32 $0xFFFF9C00  }
0x4a: {  	[hbm4b:s13+s3] =	stream.linear.scatter [tilespmem:s1], [sflag:$0x8], $0x6400, $0x38;
	[tilespmem:$0xCC88] =	vst v63  }
0x4b: {  	_ =	swait.ge [sflag:s10], $0x6400  }
0x4c: {  	[sflag:s10] =	ssyncset.done $0x0  }
0x4d: {  	[sflag:s10] =	ssyncadd.s32 $0xFFFF9C00  }
0x4e: {  	_ =	swait.ge [sflag:s11], $0xC8  }
0x4f: {  	[sflag:s11] =	ssyncset.done $0x0  }
0x50: {  	[sflag:s11] =	ssyncadd.s32 $0xFFFFFF38  }
0x51: {  	[tilespmem:s1], [sflag:$0x6] =	stream.indirect.gather [spmem:s2], $0x80, s8, s29, $0xb8;
	[tilespmem:$0xCC88] =	vst v63  }
0x52: {  	s15 =	rddreg [dreg:$0xc]  }
0x53: {  	[tilespmem:s25], [sflag:$0x1] =	stream.linear.gather [hbm4b:s15+s3], $0xC8, $0x38;
	[tilespmem:$0xCC88] =	vst v63  }
0x54: {  	_ =	swait.ge [sflag:s5], $0x6400  }
0x55: {  	[sflag:s5] =	ssyncset.done $0x0  }
0x56: {  	s16 =	rddreg [dreg:$0xd];
	[sflag:s5] =	ssyncadd.s32 $0xFFFF9C00  }
0x57: {  	[hbm4b:s16+s3] =	stream.linear.scatter [tilespmem:s30], [sflag:$0x7], $0x6400, $0x38;
	[tilespmem:$0xCC88] =	vst v63  }
0x58: {  	_ =	swait.ge [sflag:s6], $0x6400  }
0x59: {  	[sflag:s6] =	ssyncset.done $0x0  }
0x5a: {  	[sflag:s6] =	ssyncadd.s32 $0xFFFF9C00  }
0x5b: {  	_ =	swait.ge [sflag:s28], $0xC8  }
0x5c: {  	[sflag:s28] =	ssyncset.done $0x0  }
0x5d: {  	[sflag:s28] =	ssyncadd.s32 $0xFFFFFF38  }
0x5e: {  	[tilespmem:s30], [sflag:$0x5] =	stream.indirect.gather [spmem:s2], $0x80, s25, s29, $0xb8;
	[tilespmem:$0xCC88] =	vst v63  }
0x5f: {  	s24 =	rddreg [dreg:$0xe]  }
0x60: {  	[tilespmem:s26], [sflag:$0x2] =	stream.linear.gather [hbm4b:s24+s3], $0xC8, $0x38;
	[tilespmem:$0xCC88] =	vst v63  }
0x61: {  	_ =	swait.ge [sflag:s9], $0x6400  }
0x62: {  	[sflag:s9] =	ssyncset.done $0x0  }
0x63: {  	s13 =	rddreg [dreg:$0xf];
	[sflag:s9] =	ssyncadd.s32 $0xFFFF9C00  }
0x64: {  	[hbm4b:s13+s3] =	stream.linear.scatter [tilespmem:s1], [sflag:$0x8], $0x6400, $0x38;
	[tilespmem:$0xCC88] =	vst v63  }
0x65: {  	_ =	swait.ge [sflag:s10], $0x6400  }
0x66: {  	[sflag:s10] =	ssyncset.done $0x0  }
0x67: {  	[sflag:s10] =	ssyncadd.s32 $0xFFFF9C00  }
0x68: {  	_ =	swait.ge [sflag:s31], $0xC8  }
0x69: {  	[sflag:s31] =	ssyncset.done $0x0  }
0x6a: {  	[sflag:s31] =	ssyncadd.s32 $0xFFFFFF38  }
0x6b: {  	[tilespmem:s1], [sflag:$0x6] =	stream.indirect.gather [spmem:s2], $0x80, s26, s29, $0xb8;
	[tilespmem:$0xCC88] =	vst v63  }
0x6c: {  	s15 =	sadd.s32 $0x0, s20  }
0x6d: {  	[tilespmem:s0], [sflag:$0x3] =	stream.linear.gather [hbm4b:s15+s3], $0xC8, $0x38;
	[tilespmem:$0xCC88] =	vst v63  }
0x6e: {  	_ =	swait.ge [sflag:s5], $0x6400  }
0x6f: {  	[sflag:s5] =	ssyncset.done $0x0  }
0x70: {  	s16 =	sadd.s32 $0xFFFFDA80, s14;
	[sflag:s5] =	ssyncadd.s32 $0xFFFF9C00  }
0x71: {  	[hbm4b:s16+s3] =	stream.linear.scatter [tilespmem:s30], [sflag:$0x7], $0x6400, $0x38;
	[tilespmem:$0xCC88] =	vst v63  }
0x72: {  	_ =	swait.ge [sflag:s6], $0x6400  }
0x73: {  	[sflag:s6] =	ssyncset.done $0x0  }
0x74: {  	[sflag:s6] =	ssyncadd.s32 $0xFFFF9C00  }
0x75: {  	_ =	swait.ge [sflag:s7], $0xC8  }
0x76: {  	[sflag:s7] =	ssyncset.done $0x0  }
0x77: {  	[sflag:s7] =	ssyncadd.s32 $0xFFFFFF38  }
0x78: {  	[tilespmem:s30], [sflag:$0x5] =	stream.indirect.gather [spmem:s2], $0x80, s0, s29, $0xb8;
	[tilespmem:$0xCC88] =	vst v63  }
0x79: {  	s24 =	sadd.s32 $0x0, s19  }
0x7a: {  	[tilespmem:s8], [sflag:$0x4] =	stream.linear.gather [hbm4b:s24+s3], $0xC8, $0x38;
	[tilespmem:$0xCC88] =	vst v63  }
0x7b: {  	_ =	swait.ge [sflag:s9], $0x6400  }
0x7c: {  	[sflag:s9] =	ssyncset.done $0x0  }
0x7d: {  	s13 =	sadd.s32 $0xFFFFE700, s14;
	[sflag:s9] =	ssyncadd.s32 $0xFFFF9C00  }
0x7e: {  	[hbm4b:s13+s3] =	stream.linear.scatter [tilespmem:s1], [sflag:$0x8], $0x6400, $0x38;
	[tilespmem:$0xCC88] =	vst v63  }
0x7f: {  	_ =	swait.ge [sflag:s10], $0x6400  }
0x80: {  	[sflag:s10] =	ssyncset.done $0x0  }
0x81: {  	[sflag:s10] =	ssyncadd.s32 $0xFFFF9C00  }
0x82: {  	_ =	swait.ge [sflag:s11], $0xC8  }
0x83: {  	[sflag:s11] =	ssyncset.done $0x0  }
0x84: {  	[sflag:s11] =	ssyncadd.s32 $0xFFFFFF38  }
0x85: {  	[tilespmem:s1], [sflag:$0x6] =	stream.indirect.gather [spmem:s2], $0x80, s8, s29, $0xb8;
	[tilespmem:$0xCC88] =	vst v63  }
0x86: {  	s15 =	sadd.s32 $0x0, s18  }
0x87: {  	[tilespmem:s25], [sflag:$0x1] =	stream.linear.gather [hbm4b:s15+s3], $0xC8, $0x38;
	[tilespmem:$0xCC88] =	vst v63  }
0x88: {  	_ =	swait.ge [sflag:s5], $0x6400  }
0x89: {  	[sflag:s5] =	ssyncset.done $0x0  }
0x8a: {  	s16 =	sadd.s32 $0xFFFFF380, s14;
	[sflag:s5] =	ssyncadd.s32 $0xFFFF9C00  }
0x8b: {  	[hbm4b:s16+s3] =	stream.linear.scatter [tilespmem:s30], [sflag:$0x7], $0x6400, $0x38;
	[tilespmem:$0xCC88] =	vst v63  }
0x8c: {  	_ =	swait.ge [sflag:s6], $0x6400  }
0x8d: {  	[sflag:s6] =	ssyncset.done $0x0  }
0x8e: {  	[sflag:s6] =	ssyncadd.s32 $0xFFFF9C00  }
0x8f: {  	_ =	swait.ge [sflag:s28], $0xC8  }
0x90: {  	[sflag:s28] =	ssyncset.done $0x0  }
0x91: {  	s24 =	rddreg [dreg:$0x5];
	[sflag:s28] =	ssyncadd.s32 $0xFFFFFF38  }
0x92: {  	[tilespmem:s30], [sflag:$0x5] =	stream.indirect.gather [spmem:s2], $0x80, s25, s29, $0xb8;
	[tilespmem:$0xCC88] =	vst v63  }
0x93: {  	s4 =	sadd.s32 $0x0, s24  }
0x94: {  	[tilespmem:s26], [sflag:$0x2] =	stream.linear.gather [hbm4b:s4+s3], $0xC8, $0x38;
	[tilespmem:$0xCC88] =	vst v63  }
0x95: {  	_ =	swait.ge [sflag:s9], $0x6400  }
0x96: {  	s13 =	simm.s32 $0x64;
	[sflag:s9] =	ssyncset.done $0x0  }
0x97: {  	s24 =	smov.u32 s14;
	s4 =	sadd.s32 $0x3200, s14;
	[sflag:s9] =	ssyncadd.s32 $0xFFFF9C00  }
.LBB2_2:
0x98: {  	[hbm4b:s24+s3] =	stream.linear.scatter [tilespmem:s1], [sflag:$0x8], $0x6400, $0x38;
	[tilespmem:$0xCC88] =	vst v63  }
0x99: {  	_ =	swait.ge [sflag:s10], $0x6400  }
0x9a: {  	[sflag:s10] =	ssyncset.done $0x0  }
0x9b: {  	[sflag:s10] =	ssyncadd.s32 $0xFFFF9C00  }
0x9c: {  	_ =	swait.ge [sflag:s31], $0xC8  }
0x9d: {  	[sflag:s31] =	ssyncset.done $0x0  }
0x9e: {  	s15 =	smov.u32 s13;
	[sflag:s31] =	ssyncadd.s32 $0xFFFFFF38  }
0x9f: {  	[tilespmem:s1], [sflag:$0x6] =	stream.indirect.gather [spmem:s2], $0x80, s26, s29, $0xb8;
	[tilespmem:$0xCC88] =	vst v63  }
0xa0: {  	s16 =	sadd.s32 s15, s20  }
0xa1: {  	[tilespmem:s0], [sflag:$0x3] =	stream.linear.gather [hbm4b:s16+s3], $0xC8, $0x38;
	[tilespmem:$0xCC88] =	vst v63  }
0xa2: {  	_ =	swait.ge [sflag:s5], $0x6400  }
0xa3: {  	[sflag:s5] =	ssyncset.done $0x0  }
0xa4: {  	s16 =	sadd.s32 $0xFFFFDA80, s4;
	[sflag:s5] =	ssyncadd.s32 $0xFFFF9C00  }
0xa5: {  	[hbm4b:s16+s3] =	stream.linear.scatter [tilespmem:s30], [sflag:$0x7], $0x6400, $0x38;
	[tilespmem:$0xCC88] =	vst v63  }
0xa6: {  	_ =	swait.ge [sflag:s6], $0x6400  }
0xa7: {  	[sflag:s6] =	ssyncset.done $0x0  }
0xa8: {  	[sflag:s6] =	ssyncadd.s32 $0xFFFF9C00  }
0xa9: {  	_ =	swait.ge [sflag:s7], $0xC8  }
0xaa: {  	[sflag:s7] =	ssyncset.done $0x0  }
0xab: {  	[sflag:s7] =	ssyncadd.s32 $0xFFFFFF38  }
0xac: {  	[tilespmem:s30], [sflag:$0x5] =	stream.indirect.gather [spmem:s2], $0x80, s0, s29, $0xb8;
	[tilespmem:$0xCC88] =	vst v63  }
0xad: {  	s16 =	sadd.s32 s15, s19  }
0xae: {  	[tilespmem:s8], [sflag:$0x4] =	stream.linear.gather [hbm4b:s16+s3], $0xC8, $0x38;
	[tilespmem:$0xCC88] =	vst v63  }
0xaf: {  	_ =	swait.ge [sflag:s9], $0x6400  }
0xb0: {  	[sflag:s9] =	ssyncset.done $0x0  }
0xb1: {  	s16 =	sadd.s32 $0xFFFFE700, s4;
	[sflag:s9] =	ssyncadd.s32 $0xFFFF9C00  }
0xb2: {  	[hbm4b:s16+s3] =	stream.linear.scatter [tilespmem:s1], [sflag:$0x8], $0x6400, $0x38;
	[tilespmem:$0xCC88] =	vst v63  }
0xb3: {  	_ =	swait.ge [sflag:s10], $0x6400  }
0xb4: {  	[sflag:s10] =	ssyncset.done $0x0  }
0xb5: {  	[sflag:s10] =	ssyncadd.s32 $0xFFFF9C00  }
0xb6: {  	_ =	swait.ge [sflag:s11], $0xC8  }
0xb7: {  	[sflag:s11] =	ssyncset.done $0x0  }
0xb8: {  	[sflag:s11] =	ssyncadd.s32 $0xFFFFFF38  }
0xb9: {  	[tilespmem:s1], [sflag:$0x6] =	stream.indirect.gather [spmem:s2], $0x80, s8, s29, $0xb8;
	[tilespmem:$0xCC88] =	vst v63  }
0xba: {  	s16 =	sadd.s32 s15, s18  }
0xbb: {  	[tilespmem:s25], [sflag:$0x1] =	stream.linear.gather [hbm4b:s16+s3], $0xC8, $0x38;
	[tilespmem:$0xCC88] =	vst v63  }
0xbc: {  	_ =	swait.ge [sflag:s5], $0x6400  }
0xbd: {  	[sflag:s5] =	ssyncset.done $0x0  }
0xbe: {  	s16 =	sadd.s32 $0xFFFFF380, s4;
	[sflag:s5] =	ssyncadd.s32 $0xFFFF9C00  }
0xbf: {  	[hbm4b:s16+s3] =	stream.linear.scatter [tilespmem:s30], [sflag:$0x7], $0x6400, $0x38;
	[tilespmem:$0xCC88] =	vst v63  }
0xc0: {  	_ =	swait.ge [sflag:s6], $0x6400  }
0xc1: {  	[sflag:s6] =	ssyncset.done $0x0  }
0xc2: {  	[sflag:s6] =	ssyncadd.s32 $0xFFFF9C00  }
0xc3: {  	_ =	swait.ge [sflag:s28], $0xC8  }
0xc4: {  	[sflag:s28] =	ssyncset.done $0x0  }
0xc5: {  	p1 =	sne.s32 s13, $0x30D4;
	s16 =	rddreg [dreg:$0x5];
	[sflag:s28] =	ssyncadd.s32 $0xFFFFFF38  }
0xc6: {  	[tilespmem:s30], [sflag:$0x5] =	stream.indirect.gather [spmem:s2], $0x80, s25, s29, $0xb8;
	[tilespmem:$0xCC88] =	vst v63  }
.Ltmp0:
0xc7: {  	s15 =	sadd.s32 s15, s16;
	(pc) =	sbr.rel @p1 .LBB2_2-.Ltmp0, $4  }
0xc8: {  	[tilespmem:s26], [sflag:$0x2] =	stream.linear.gather [hbm4b:s15+s3], $0xC8, $0x38;
	[tilespmem:$0xCC88] =	vst v63  }
0xc9: {  	_ =	swait.ge [sflag:s9], $0x6400  }
0xca: {  	s24 =	smov.u32 s4;
	[sflag:s9] =	ssyncset.done $0x0  }
0xcb: {  	s13 =	sadd.s32 $0x64, s13;
	s4 =	sadd.s32 $0x3200, s4;
	[sflag:s9] =	ssyncadd.s32 $0xFFFF9C00  }
0xcc: {  	[hbm4b:s24+s3] =	stream.linear.scatter [tilespmem:s1], [sflag:$0x8], $0x6400, $0x38;
	[tilespmem:$0xCC88] =	vst v63  }
0xcd: {  	_ =	swait.ge [sflag:s10], $0x6400  }
0xce: {  	[sflag:s10] =	ssyncset.done $0x0  }
0xcf: {  	[sflag:s10] =	ssyncadd.s32 $0xFFFF9C00  }
0xd0: {  	_ =	swait.ge [sflag:s31], $0xC8  }
0xd1: {  	[sflag:s31] =	ssyncset.done $0x0  }
0xd2: {  	[sflag:s31] =	ssyncadd.s32 $0xFFFFFF38  }
0xd3: {  	[tilespmem:s1], [sflag:$0x6] =	stream.indirect.gather [spmem:s2], $0x80, s26, s29, $0xb8;
	[tilespmem:$0xCC88] =	vst v63  }
0xd4: {  	s4 =	rddreg [dreg:$0x10]  }
0xd5: {  	[tilespmem:s0], [sflag:$0x3] =	stream.linear.gather [hbm4b:s4+s3], $0xC8, $0x38;
	[tilespmem:$0xCC88] =	vst v63  }
0xd6: {  	_ =	swait.ge [sflag:s5], $0x6400  }
0xd7: {  	[sflag:s5] =	ssyncset.done $0x0  }
0xd8: {  	[sflag:s5] =	ssyncadd.s32 $0xFFFF9C00  }
0xd9: {  	[hbm4b:s21+s3] =	stream.linear.scatter [tilespmem:s30], [sflag:$0x7], $0x6400, $0x38;
	[tilespmem:$0xCC88] =	vst v63  }
0xda: {  	_ =	swait.ge [sflag:s6], $0x6400  }
0xdb: {  	[sflag:s6] =	ssyncset.done $0x0  }
0xdc: {  	[sflag:s6] =	ssyncadd.s32 $0xFFFF9C00  }
0xdd: {  	_ =	swait.ge [sflag:s7], $0xC8  }
0xde: {  	[sflag:s7] =	ssyncset.done $0x0  }
0xdf: {  	[sflag:s7] =	ssyncadd.s32 $0xFFFFFF38  }
0xe0: {  	[tilespmem:s30], [sflag:$0x5] =	stream.indirect.gather [spmem:s2], $0x80, s0, s29, $0xb8;
	[tilespmem:$0xCC88] =	vst v63  }
0xe1: {  	s16 =	rddreg [dreg:$0x11]  }
0xe2: {  	[tilespmem:s8], [sflag:$0x4] =	stream.linear.gather [hbm4b:s16+s3], $0xC8, $0x38;
	[tilespmem:$0xCC88] =	vst v63  }
0xe3: {  	_ =	swait.ge [sflag:s9], $0x6400  }
0xe4: {  	[sflag:s9] =	ssyncset.done $0x0  }
0xe5: {  	[sflag:s9] =	ssyncadd.s32 $0xFFFF9C00  }
0xe6: {  	[hbm4b:s22+s3] =	stream.linear.scatter [tilespmem:s1], [sflag:$0x8], $0x6400, $0x38;
	[tilespmem:$0xCC88] =	vst v63  }
0xe7: {  	_ =	swait.ge [sflag:s10], $0x6400  }
0xe8: {  	[sflag:s10] =	ssyncset.done $0x0  }
0xe9: {  	[sflag:s10] =	ssyncadd.s32 $0xFFFF9C00  }
0xea: {  	_ =	swait.ge [sflag:s11], $0xC8  }
0xeb: {  	[sflag:s11] =	ssyncset.done $0x0  }
0xec: {  	[sflag:s11] =	ssyncadd.s32 $0xFFFFFF38  }
0xed: {  	[tilespmem:s1], [sflag:$0x6] =	stream.indirect.gather [spmem:s2], $0x80, s8, s29, $0xb8;
	[tilespmem:$0xCC88] =	vst v63  }
0xee: {  	_ =	swait.ge [sflag:s5], $0x6400  }
0xef: {  	[sflag:s5] =	ssyncset.done $0x0  }
0xf0: {  	s24 =	rddreg [dreg:$0x12];
	[sflag:s5] =	ssyncadd.s32 $0xFFFF9C00  }
0xf1: {  	[hbm4b:s24+s3] =	stream.linear.scatter [tilespmem:s30], [sflag:$0x7], $0x6400, $0x38;
	[tilespmem:$0xCC88] =	vst v63  }
0xf2: {  	_ =	swait.ge [sflag:s6], $0x6400  }
0xf3: {  	[sflag:s6] =	ssyncset.done $0x0  }
0xf4: {  	[sflag:s6] =	ssyncadd.s32 $0xFFFF9C00  }
0xf5: {  	s12 =	sadd.s32 $0x1, s12;
	_ =	swait.ge [sflag:s9], $0x6400  }
0xf6: {  	p1 =	sne.s32 s12, s23;
	[sflag:s9] =	ssyncset.done $0x0  }
.Ltmp1:
0xf7: {  	[sflag:s9] =	ssyncadd.s32 $0xFFFF9C00;
	(pc) =	sbr.rel @p1 .LBB2_1-.Ltmp1, $4  }
0xf8: {  	[hbm4b:s17+s3] =	stream.linear.scatter [tilespmem:s1], [sflag:$0x8], $0x6400, $0x38;
	[tilespmem:$0xCC88] =	vst v63  }
0xf9: {  	_ =	swait.ge [sflag:s10], $0x6400  }
0xfa: {  	[sflag:s10] =	ssyncset.done $0x0  }
0xfb: {  	[sflag:s10] =	ssyncadd.s32 $0xFFFF9C00  }
0xfc: {  	_ =	sfence.sel $0x180000  }
0xfd: {  	[bflag:$0x0] =	sbarrier.arrive $0xFFFF  }
0xfe: {  	_ =	strace $0x90000047  }
0xff: {  	[bflag:$0x2] =	sbarrier.arrive $0xFFFF  }
0x100: {  	s0 =	rddreg [dreg:$0x4]  }
0x101: {  	s0 =	sadd.s32 @!p0 $0x100000, s0  }
0x102: {  	[sflag:s0] =	ssyncadd.tile.s32 @!p0 $0x1;
	_ =	shalt  }
.Lfunc_end2:
_tile_overlayer_lowered:
.L_overlay_start_2:
0x103: {  	(tag) =	ssettag $0x2  }
0x104: {  	s0 =	rddreg [dreg:$0x0];
	s2 =	stileid.u32  }
0x105: {  	s1 =	rddreg [dreg:$0x1];
	p0 =	sne.s32 s2, $0x0  }
0x106: {  	s3 =	rddreg [dreg:$0x2];
	[bflag:$0x3] =	sbarrier.arrive $0xFFFF;
	s2 =	simm.s32 @!p0 $0x1C09  }
0x107: {  	[timem:s3], [sflag:s2] =	dma.local @!p0 [hbm:s0], s1  }
0x108: {  	s0 =	simm.s32 @!p0 $0x9  }
0x109: {  	_ =	swait.ge @!p0 [sflag:s0], s1  }
0x10a: {  	s1 =	ssub.s32 @!p0 $0x0, s1;
	[sflag:s0] =	ssyncset.done @!p0 $0x0  }
0x10b: {  	[sflag:s0] =	ssyncadd.s32 @!p0 s1  }
0x10c: {  	[bflag:$0x3] =	sbarrier.arrive $0xFFFF  }
0x10d: {  	_ =	shalt  }

</sc_bundles>
